<compile_context>
chip_gen: v7x
topology: tpu7x:2x2x1
jax: 0.10.2.dev20260603
libtpu: 0.0.44.dev20260713+nightly
codegen_flags: <defaults>
</compile_context>

<pallas_src>
import functools

import jax
import jax.numpy as jnp
import numpy as np
from jax import lax
from jax.experimental import pallas as pl
from jax.experimental.pallas import tpu as pltpu
from jax.experimental.pallas import tpu_sc as plsc

_B = 4096
_S = 50
_D = 64

_NC = 2
_NS = 16
_NW = _NC * _NS
_L = 16

_SPW = _B // _NW
_PB = 8192
_NPB = 62
_VP = _NPB * _PB


def _pos_rep_body(radius_ref, period_ref, phase_ref, out_ref):
    rows_i = lax.broadcasted_iota(jnp.int32, (64, 1), 0)
    pos = rows_i.astype(jnp.float32)
    out_ref[...] = radius_ref[...] * jnp.cos(
        2.0 * np.pi * pos / period_ref[...] + phase_ref[...]
    )


def _pos_bcast_body(radius_ref, period_ref, phase_ref, out_ref):
    pos = lax.broadcasted_iota(jnp.int32, (_S, 1, 1), 0).astype(jnp.float32)
    pe = radius_ref[...] * jnp.cos(
        2.0 * np.pi * pos / period_ref[...] + phase_ref[...]
    )
    out_ref[...] = jnp.broadcast_to(pe, out_ref.shape)


_BB = 128


def _pack_body(tt_ref, eye_ref, out_ref):
    t = jax.lax.dot_general(
        tt_ref[...], eye_ref[...], (((0,), (0,)), ((), ())),
        preferred_element_type=jnp.float32,
    )
    out_ref[...] = jnp.concatenate([t[:_PB], t[_PB:]], axis=1)


_pack_table = pl.pallas_call(
    _pack_body,
    grid=(_NPB,),
    in_specs=[
        pl.BlockSpec((_D, 2 * _PB), lambda i: (0, i)),
        pl.BlockSpec((_D, _D), lambda i: (0, 0)),
    ],
    out_specs=pl.BlockSpec((_PB, 128), lambda i: (i, 0)),
    out_shape=jax.ShapeDtypeStruct((_VP, 128), jnp.float32),
)


def _seq_combine(dst_ref, src_ref, par_ref, si, pos_ref):
    def row_body(r, c):
        h = par_ref[si, pl.ds(r, _L)][0]
        hf = jnp.full((_L,), h, jnp.int32).astype(jnp.float32)
        for c4 in range(_D // _L):
            sl = pl.ds(c4 * _L, _L)
            sh = pl.ds(_D + c4 * _L, _L)
            lo = src_ref[r, sl]
            hi = src_ref[r, sh]
            dst_ref[r, sl] = lo + hf * (hi - lo) + pos_ref[r, sl]
        return c

    lax.fori_loop(0, _S, row_body, 0)


def _sc_gather_add(
    pairs_hbm, par_hbm, table_hbm, pos_hbm, x_hbm,
    idx_v, par_v, pos_v, r0, r1, w0, w1, gs0, gs1, ws0, ws1,
):
    wid = lax.axis_index("s") * _NC + lax.axis_index("c")
    sbase = wid * _SPW
    pltpu.sync_copy(pairs_hbm.at[pl.ds(sbase, _SPW)], idx_v)
    pltpu.sync_copy(par_hbm.at[pl.ds(sbase, _SPW)], par_v)
    pltpu.sync_copy(pos_hbm, pos_v)

    pltpu.async_copy(table_hbm.at[idx_v.at[0, pl.ds(0, _S)]], r0.at[pl.ds(0, _S)], gs0)
    pltpu.async_copy(table_hbm.at[idx_v.at[1, pl.ds(0, _S)]], r1.at[pl.ds(0, _S)], gs1)

    def body(g, carry):
        for slot, (rb, wb, gs, ws) in enumerate(
            ((r0, w0, gs0, ws0), (r1, w1, gs1, ws1))
        ):
            si = 2 * g + slot
            pltpu.make_async_copy(
                table_hbm.at[idx_v.at[si, pl.ds(0, _S)]], rb.at[pl.ds(0, _S)], gs
            ).wait()
            _seq_combine(wb, rb, par_v, si, pos_v)
            @pl.when(si + 2 < _SPW)
            def _():
                pltpu.async_copy(
                    table_hbm.at[idx_v.at[si + 2, pl.ds(0, _S)]],
                    rb.at[pl.ds(0, _S)], gs,
                )
            @pl.when(si >= 2)
            def _():
                pltpu.make_async_copy(
                    wb.at[pl.ds(0, _S)], x_hbm.at[sbase + si], ws
                ).wait()
            pltpu.async_copy(wb.at[pl.ds(0, _S)], x_hbm.at[sbase + si], ws)
        return carry

    lax.fori_loop(0, _SPW // 2, body, 0)
    pltpu.make_async_copy(w0.at[pl.ds(0, _S)], x_hbm.at[sbase], ws0).wait()
    pltpu.make_async_copy(w1.at[pl.ds(0, _S)], x_hbm.at[sbase], ws1).wait()


@functools.cache
def _build_gather_add():
    sc_mesh = plsc.VectorSubcoreMesh(
        core_axis_name="c", subcore_axis_name="s", num_cores=_NC, num_subcores=_NS
    )
    return pl.kernel(
        _sc_gather_add,
        out_type=jax.ShapeDtypeStruct((_B, _S, _D), jnp.float32),
        mesh=sc_mesh,
        scratch_types=[
            pltpu.VMEM((_SPW, 128), jnp.int32),
            pltpu.VMEM((_SPW, 128), jnp.int32),
            pltpu.VMEM((64, 128), jnp.float32),
            pltpu.VMEM((56, 128), jnp.float32),
            pltpu.VMEM((56, 128), jnp.float32),
            pltpu.VMEM((56, _D), jnp.float32),
            pltpu.VMEM((56, _D), jnp.float32),
            pltpu.SemaphoreType.DMA,
            pltpu.SemaphoreType.DMA,
            pltpu.SemaphoreType.DMA,
            pltpu.SemaphoreType.DMA,
        ],
        compiler_params=pltpu.CompilerParams(use_tc_tiling_on_sc=True),
    )


_pos_rep = pl.pallas_call(
    _pos_rep_body,
    out_shape=jax.ShapeDtypeStruct((64, 128), jnp.float32),
)

_BBT = 1024

_pos_bcast = pl.pallas_call(
    _pos_bcast_body,
    grid=(_B // _BBT,),
    in_specs=[
        pl.BlockSpec((1, _D, 1), lambda i: (0, 0, 0)),
        pl.BlockSpec((1, _D, 1), lambda i: (0, 0, 0)),
        pl.BlockSpec((1, _D, 1), lambda i: (0, 0, 0)),
    ],
    out_specs=pl.BlockSpec((_S, _D, _BBT), lambda i: (0, 0, i)),
    out_shape=jax.ShapeDtypeStruct((_S, _D, _B), jnp.float32),
)


def kernel(sequence, token_table, init_radius, period, init_phase):
    seq = sequence.astype(jnp.int32)
    pairs = jnp.pad(((seq >> 14) << 13) + (seq & 8191), ((0, 0), (0, 128 - _S)))
    par = jnp.pad((seq >> 13) & 1, ((0, 0), (0, 128 - _S)))
    table2 = _pack_table(token_table.T, jnp.eye(_D, dtype=jnp.float32))
    r2 = jnp.pad(init_radius.reshape(1, _D), ((0, 0), (0, 64)))
    p2 = jnp.pad(period.reshape(1, _D), ((0, 0), (0, 64)), constant_values=1.0)
    f2 = jnp.pad(init_phase.reshape(1, _D), ((0, 0), (0, 64)))
    pos = _pos_rep(r2, p2, f2)
    x = _build_gather_add()(pairs, par, table2, pos)
    pb = _pos_bcast(
        init_radius.reshape(1, _D, 1),
        period.reshape(1, _D, 1),
        init_phase.reshape(1, _D, 1),
    )
    position_e = jnp.transpose(pb, (2, 0, 1))
    return (x, init_radius, period, init_phase, position_e)

# --- scband reference (transcript-rebuilt; emitter-appended) ---
"""Pipeline reference for scband-bertpolar-embedding-61263413510520 (READ-ONLY COPY).

The authoritative reference and input builder live on the scoring server;
editing this copy changes nothing except your own understanding.
"""

import jax, jax.numpy as jnp
import numpy as np

VOCAB = 1000000
D = 64
B = 4096
S = 50


def setup_inputs(seed: int = 0) -> dict:
    key = jax.random.key(seed)
    k1, k2, k3, k4, k5 = jax.random.split(key, 5)
    sequence = jax.random.randint(k1, (B, S), 0, VOCAB)
    # learned parameters
    token_table = jax.random.normal(k2, (VOCAB, D), dtype=jnp.float32) * 0.02
    init_radius = jax.random.normal(k3, (D,), dtype=jnp.float32) * 0.1 + 1.0
    period = jax.random.uniform(k4, (D,), dtype=jnp.float32, minval=1.0, maxval=10000.0)
    init_phase = jax.random.uniform(k5, (D,), dtype=jnp.float32, minval=0.0, maxval=2.0 * np.pi)
    return {
        "sequence": sequence,
        "token_table": token_table,
        "init_radius": init_radius,
        "period": period,
        "init_phase": init_phase,
    }


def reference(sequence, token_table, init_radius, period, init_phase):
    # TokenEmbedding: gather from embedding table (SparseCore-friendly)
    token_e = jnp.take(token_table, sequence, axis=0)  # [B, S, D]
    b, s = sequence.shape
    d = token_table.shape[1]
    # PolarPostionEmbedding: learned polar (radius/period/phase) positional encoding
    pos = jnp.arange(s, dtype=jnp.float32)[None, :, None]  # [1, S, 1]
    position_e = init_radius[None, None, :] * jnp.cos(
        2.0 * jnp.pi * pos / period[None, None, :] + init_phase[None, None, :]
    )  # [1, S, D]
    position_e = jnp.broadcast_to(position_e, (b, s, d))
    # single_segment=True -> no segment embedding; dropout is identity in eval mode
    x = token_e + position_e
    return (x, init_radius, period, init_phase, position_e)

if __name__ == "__main__":
    import jax
    _d = setup_inputs()
    print(jax.jit(kernel)(*tuple(_d.values())))

</pallas_src>

<mosaic_0001>
#map = affine_map<(d0, d1) -> (0, 0)>
#map1 = affine_map<(d0, d1) -> (0, 0, 0)>
module attributes {stable_mosaic.version = 14 : i64} {
  func.func @_sc_gather_add(%arg0: i32, %arg1: i32, %arg2: memref<4096x128xi32, #tpu.memory_space<hbm>>, %arg3: memref<4096x128xi32, #tpu.memory_space<hbm>>, %arg4: memref<507904x128xf32, #tpu.memory_space<hbm>>, %arg5: memref<64x128xf32, #tpu.memory_space<hbm>>, %arg6: memref<4096x50x64xf32, #tpu.memory_space<hbm>>, %arg7: memref<128x128xi32, #tpu.memory_space<vmem>>, %arg8: memref<128x128xi32, #tpu.memory_space<vmem>>, %arg9: memref<64x128xf32, #tpu.memory_space<vmem>>, %arg10: memref<56x128xf32, #tpu.memory_space<vmem>>, %arg11: memref<56x128xf32, #tpu.memory_space<vmem>>, %arg12: memref<56x64xf32, #tpu.memory_space<vmem>>, %arg13: memref<56x64xf32, #tpu.memory_space<vmem>>, %arg14: memref<!tpu.dma_semaphore, #tpu.memory_space<semaphore_mem>>, %arg15: memref<!tpu.dma_semaphore, #tpu.memory_space<semaphore_mem>>, %arg16: memref<!tpu.dma_semaphore, #tpu.memory_space<semaphore_mem>>, %arg17: memref<!tpu.dma_semaphore, #tpu.memory_space<semaphore_mem>>) attributes {dimension_semantics = [#tpu.dimension_semantics<core_parallel>, #tpu.dimension_semantics<subcore_parallel>], iteration_bounds = array<i64: 2, 16>, scalar_prefetch = 0 : i64, scratch_operands = 11 : i64, tpu.core_type = #tpu.core_type<sc_vector_subcore>, window_params = [{transform_indices = #map}, {transform_indices = #map}, {transform_indices = #map}, {transform_indices = #map}, {transform_indices = #map1}]} {
    %mul3A = arith.constant 2 : i32
    %mul3A_0 = arith.muli %arg1, %mul3A : i32
    %add3A = arith.addi %mul3A_0, %arg0 : i32
    %mul3A_1 = arith.constant 128 : i32
    %mul3A_2 = arith.muli %add3A, %mul3A_1 : i32
    "tpu.region"() ({
      %run_scoped3A = tpu.sem_alloc : memref<!tpu.dma_semaphore, #tpu.memory_space<semaphore_mem>>
      %dma_start3A_54 = arith.constant 0 : i32
      %dma_start3A_55 = tpu.memref_slice %arg2[%mul3A_2, %dma_start3A_54] : memref<4096x128xi32, #tpu.memory_space<hbm>> -> memref<128x128xi32, #tpu.memory_space<hbm>>
      %dma_start3A_56 = arith.constant 0 : i32
      %dma_start3A_57 = tpu.memref_slice %arg2[%mul3A_2, %dma_start3A_56] : memref<4096x128xi32, #tpu.memory_space<hbm>> -> memref<128x128xi32, #tpu.memory_space<hbm>>
      tpu.enqueue_dma source(%dma_start3A_57 : memref<128x128xi32, #tpu.memory_space<hbm>>) target(%arg7 : memref<128x128xi32, #tpu.memory_space<vmem>>) target_semaphore(%run_scoped3A : memref<!tpu.dma_semaphore, #tpu.memory_space<semaphore_mem>>)
      %dma_wait3A_58 = arith.constant 0 : i32
      %dma_wait3A_59 = tpu.memref_slice %arg2[%mul3A_2, %dma_wait3A_58] : memref<4096x128xi32, #tpu.memory_space<hbm>> -> memref<128x128xi32, #tpu.memory_space<hbm>>
      %dma_wait3A_60 = arith.constant 0 : i32
      %dma_wait3A_61 = tpu.memref_slice %arg2[%mul3A_2, %dma_wait3A_60] : memref<4096x128xi32, #tpu.memory_space<hbm>> -> memref<128x128xi32, #tpu.memory_space<hbm>>
      tpu.wait_dma2 semaphore(%run_scoped3A : memref<!tpu.dma_semaphore, #tpu.memory_space<semaphore_mem>>) src(%dma_wait3A_61 : memref<128x128xi32, #tpu.memory_space<hbm>>) dst(%arg7 : memref<128x128xi32, #tpu.memory_space<vmem>>)
      tpu.yield
    }) : () -> ()
    "tpu.region"() ({
      %run_scoped3A = tpu.sem_alloc : memref<!tpu.dma_semaphore, #tpu.memory_space<semaphore_mem>>
      %dma_start3A_54 = arith.constant 0 : i32
      %dma_start3A_55 = tpu.memref_slice %arg3[%mul3A_2, %dma_start3A_54] : memref<4096x128xi32, #tpu.memory_space<hbm>> -> memref<128x128xi32, #tpu.memory_space<hbm>>
      %dma_start3A_56 = arith.constant 0 : i32
      %dma_start3A_57 = tpu.memref_slice %arg3[%mul3A_2, %dma_start3A_56] : memref<4096x128xi32, #tpu.memory_space<hbm>> -> memref<128x128xi32, #tpu.memory_space<hbm>>
      tpu.enqueue_dma source(%dma_start3A_57 : memref<128x128xi32, #tpu.memory_space<hbm>>) target(%arg8 : memref<128x128xi32, #tpu.memory_space<vmem>>) target_semaphore(%run_scoped3A : memref<!tpu.dma_semaphore, #tpu.memory_space<semaphore_mem>>)
      %dma_wait3A_58 = arith.constant 0 : i32
      %dma_wait3A_59 = tpu.memref_slice %arg3[%mul3A_2, %dma_wait3A_58] : memref<4096x128xi32, #tpu.memory_space<hbm>> -> memref<128x128xi32, #tpu.memory_space<hbm>>
      %dma_wait3A_60 = arith.constant 0 : i32
      %dma_wait3A_61 = tpu.memref_slice %arg3[%mul3A_2, %dma_wait3A_60] : memref<4096x128xi32, #tpu.memory_space<hbm>> -> memref<128x128xi32, #tpu.memory_space<hbm>>
      tpu.wait_dma2 semaphore(%run_scoped3A : memref<!tpu.dma_semaphore, #tpu.memory_space<semaphore_mem>>) src(%dma_wait3A_61 : memref<128x128xi32, #tpu.memory_space<hbm>>) dst(%arg8 : memref<128x128xi32, #tpu.memory_space<vmem>>)
      tpu.yield
    }) : () -> ()
    "tpu.region"() ({
      %run_scoped3A = tpu.sem_alloc : memref<!tpu.dma_semaphore, #tpu.memory_space<semaphore_mem>>
      tpu.enqueue_dma source(%arg5 : memref<64x128xf32, #tpu.memory_space<hbm>>) target(%arg9 : memref<64x128xf32, #tpu.memory_space<vmem>>) target_semaphore(%run_scoped3A : memref<!tpu.dma_semaphore, #tpu.memory_space<semaphore_mem>>)
      tpu.wait_dma2 semaphore(%run_scoped3A : memref<!tpu.dma_semaphore, #tpu.memory_space<semaphore_mem>>) src(%arg5 : memref<64x128xf32, #tpu.memory_space<hbm>>) dst(%arg9 : memref<64x128xf32, #tpu.memory_space<vmem>>)
      tpu.yield
    }) : () -> ()
    %dma_start3A = arith.constant 0 : i32
    %dma_start3A_3 = arith.constant 0 : i32
    %dma_start3A_4 = arith.constant 0 : i32
    %dma_start3A_5 = tpu.memref_slice %arg10[%dma_start3A_3, %dma_start3A_4] : memref<56x128xf32, #tpu.memory_space<vmem>> -> memref<50x128xf32, #tpu.memory_space<vmem>>
    %dma_start3A_6 = arith.constant 0 : i32
    %dma_start3A_7 = tpu.memref_slice %arg7[%dma_start3A, %dma_start3A_6] : memref<128x128xi32, #tpu.memory_space<vmem>> -> memref<1x50xi32, #tpu.memory_space<vmem>>
    %dma_start3A_8 = tpu.memref_squeeze %dma_start3A_7 : memref<1x50xi32, #tpu.memory_space<vmem>> -> memref<50xi32, #tpu.memory_space<vmem>>
    %dma_start3A_9 = arith.constant 0 : i32
    %dma_start3A_10 = arith.constant 0 : i32
    %dma_start3A_11 = tpu.memref_slice %arg4[%dma_start3A_9, %dma_start3A_10] : memref<507904x128xf32, #tpu.memory_space<hbm>> -> memref<507904x128xf32, #tpu.memory_space<hbm>>
    tpu.enqueue_indirect_dma source(%dma_start3A_11 : memref<507904x128xf32, #tpu.memory_space<hbm>>) target(%dma_start3A_5 : memref<50x128xf32, #tpu.memory_space<vmem>>) offsets(%dma_start3A_8 : memref<50xi32, #tpu.memory_space<vmem>>) semaphore(%arg14 : memref<!tpu.dma_semaphore, #tpu.memory_space<semaphore_mem>>)
    %dma_start3A_12 = arith.constant 1 : i32
    %dma_start3A_13 = arith.constant 0 : i32
    %dma_start3A_14 = arith.constant 0 : i32
    %dma_start3A_15 = tpu.memref_slice %arg11[%dma_start3A_13, %dma_start3A_14] : memref<56x128xf32, #tpu.memory_space<vmem>> -> memref<50x128xf32, #tpu.memory_space<vmem>>
    %dma_start3A_16 = arith.constant 0 : i32
    %dma_start3A_17 = tpu.memref_slice %arg7[%dma_start3A_12, %dma_start3A_16] : memref<128x128xi32, #tpu.memory_space<vmem>> -> memref<1x50xi32, #tpu.memory_space<vmem>>
    %dma_start3A_18 = tpu.memref_squeeze %dma_start3A_17 : memref<1x50xi32, #tpu.memory_space<vmem>> -> memref<50xi32, #tpu.memory_space<vmem>>
    %dma_start3A_19 = arith.constant 0 : i32
    %dma_start3A_20 = arith.constant 0 : i32
    %dma_start3A_21 = tpu.memref_slice %arg4[%dma_start3A_19, %dma_start3A_20] : memref<507904x128xf32, #tpu.memory_space<hbm>> -> memref<507904x128xf32, #tpu.memory_space<hbm>>
    tpu.enqueue_indirect_dma source(%dma_start3A_21 : memref<507904x128xf32, #tpu.memory_space<hbm>>) target(%dma_start3A_15 : memref<50x128xf32, #tpu.memory_space<vmem>>) offsets(%dma_start3A_18 : memref<50xi32, #tpu.memory_space<vmem>>) semaphore(%arg15 : memref<!tpu.dma_semaphore, #tpu.memory_space<semaphore_mem>>)
    %scan3A = arith.constant 0 : i32
    %scan3A_22 = arith.constant 0 : i32
    %scan3A_23 = arith.constant 64 : i32
    %scan3A_24 = arith.addi %scan3A_22, %scan3A_23 : i32
    %scan3A_25 = arith.constant 1 : i32
    scf.for %scan3A_54 = %scan3A_22 to %scan3A_24 step %scan3A_25  : i32 {
      %mul3A_55 = arith.constant 2 : i32
      %mul3A_56 = arith.muli %mul3A_55, %scan3A_54 : i32
      %add3A_57 = arith.constant 0 : i32
      %add3A_58 = arith.addi %mul3A_56, %add3A_57 : i32
      %dma_wait3A_59 = arith.constant 0 : i32
      %dma_wait3A_60 = arith.constant 0 : i32
      %dma_wait3A_61 = tpu.memref_slice %arg10[%dma_wait3A_59, %dma_wait3A_60] : memref<56x128xf32, #tpu.memory_space<vmem>> -> memref<50x128xf32, #tpu.memory_space<vmem>>
      %dma_wait3A_62 = arith.constant 0 : i32
      %dma_wait3A_63 = tpu.memref_slice %arg7[%add3A_58, %dma_wait3A_62] : memref<128x128xi32, #tpu.memory_space<vmem>> -> memref<1x50xi32, #tpu.memory_space<vmem>>
      %dma_wait3A_64 = tpu.memref_squeeze %dma_wait3A_63 : memref<1x50xi32, #tpu.memory_space<vmem>> -> memref<50xi32, #tpu.memory_space<vmem>>
      %dma_wait3A_65 = arith.constant 0 : i32
      %dma_wait3A_66 = arith.constant 0 : i32
      %dma_wait3A_67 = tpu.memref_slice %arg4[%dma_wait3A_65, %dma_wait3A_66] : memref<507904x128xf32, #tpu.memory_space<hbm>> -> memref<507904x128xf32, #tpu.memory_space<hbm>>
      tpu.wait_indirect_dma semaphore(%arg14 : memref<!tpu.dma_semaphore, #tpu.memory_space<semaphore_mem>>) src(%dma_wait3A_67 : memref<507904x128xf32, #tpu.memory_space<hbm>>) dst(%dma_wait3A_61 : memref<50x128xf32, #tpu.memory_space<vmem>>)
      %scan3A_68 = arith.constant 0 : i32
      %scan3A_69 = arith.constant 0 : i32
      %scan3A_70 = arith.constant 50 : i32
      %scan3A_71 = arith.addi %scan3A_69, %scan3A_70 : i32
      %scan3A_72 = arith.constant 1 : i32
      scf.for %scan3A_143 = %scan3A_69 to %scan3A_71 step %scan3A_72  : i32 {
        %get3A = arith.index_cast %add3A_58 : i32 to index
        %get3A_144 = arith.index_cast %scan3A_143 : i32 to index
        %get3A_145 = tpu.vector_load %arg8[%get3A, %get3A_144] {strides = array<i32>} : memref<128x128xi32, #tpu.memory_space<vmem>>, vector<1x16xi32>,
        %get3A_146 = vector.shape_cast %get3A_145 : vector<1x16xi32> to vector<16xi32>
        %slice3A = vector.extract_strided_slice %get3A_146 {offsets = [0], sizes = [1], strides = [1]} : vector<16xi32> to vector<1xi32>
        %squeeze3A = vector.extract %slice3A[0] : i32 from vector<1xi32>
        %broadcast_in_dim3A = vector.broadcast %squeeze3A : i32 to vector<16xi32>
        %convert_element_type3A_147 = arith.sitofp %broadcast_in_dim3A : vector<16xi32> to vector<16xf32>
        %get3A_148 = arith.index_cast %scan3A_143 : i32 to index
        %get3A_149 = arith.constant 0 : index
        %get3A_150 = tpu.vector_load %arg10[%get3A_148, %get3A_149] {strides = array<i32>} : memref<56x128xf32, #tpu.memory_space<vmem>>, vector<1x16xf32>,
        %get3A_151 = vector.shape_cast %get3A_150 : vector<1x16xf32> to vector<16xf32>
        %get3A_152 = arith.index_cast %scan3A_143 : i32 to index
        %get3A_153 = arith.constant 64 : index
        %get3A_154 = tpu.vector_load %arg10[%get3A_152, %get3A_153] {strides = array<i32>} : memref<56x128xf32, #tpu.memory_space<vmem>>, vector<1x16xf32>,
        %get3A_155 = vector.shape_cast %get3A_154 : vector<1x16xf32> to vector<16xf32>
        %sub3A = arith.subf %get3A_155, %get3A_151 : vector<16xf32>
        %mul3A_156 = arith.mulf %convert_element_type3A_147, %sub3A : vector<16xf32>
        %add3A_157 = arith.addf %get3A_151, %mul3A_156 : vector<16xf32>
        %get3A_158 = arith.index_cast %scan3A_143 : i32 to index
        %get3A_159 = arith.constant 0 : index
        %get3A_160 = tpu.vector_load %arg9[%get3A_158, %get3A_159] {strides = array<i32>} : memref<64x128xf32, #tpu.memory_space<vmem>>, vector<1x16xf32>,
        %get3A_161 = vector.shape_cast %get3A_160 : vector<1x16xf32> to vector<16xf32>
        %add3A_162 = arith.addf %add3A_157, %get3A_161 : vector<16xf32>
        %swap3A = arith.index_cast %scan3A_143 : i32 to index
        %swap3A_163 = arith.constant 0 : index
        %swap3A_164 = tpu.vector_load %arg12[%swap3A, %swap3A_163] {strides = array<i32>} : memref<56x64xf32, #tpu.memory_space<vmem>>, vector<1x16xf32>,
        %swap3A_165 = vector.shape_cast %swap3A_164 : vector<1x16xf32> to vector<16xf32>
        %swap3A_166 = vector.shape_cast %add3A_162 : vector<16xf32> to vector<1x16xf32>
        tpu.vector_store %arg12[%swap3A, %swap3A_163], %swap3A_166 {strides = array<i32>} : memref<56x64xf32, #tpu.memory_space<vmem>>, vector<1x16xf32>,
        %get3A_167 = arith.index_cast %scan3A_143 : i32 to index
        %get3A_168 = arith.constant 16 : index
        %get3A_169 = tpu.vector_load %arg10[%get3A_167, %get3A_168] {strides = array<i32>} : memref<56x128xf32, #tpu.memory_space<vmem>>, vector<1x16xf32>,
        %get3A_170 = vector.shape_cast %get3A_169 : vector<1x16xf32> to vector<16xf32>
        %get3A_171 = arith.index_cast %scan3A_143 : i32 to index
        %get3A_172 = arith.constant 80 : index
        %get3A_173 = tpu.vector_load %arg10[%get3A_171, %get3A_172] {strides = array<i32>} : memref<56x128xf32, #tpu.memory_space<vmem>>, vector<1x16xf32>,
        %get3A_174 = vector.shape_cast %get3A_173 : vector<1x16xf32> to vector<16xf32>
        %sub3A_175 = arith.subf %get3A_174, %get3A_170 : vector<16xf32>
        %mul3A_176 = arith.mulf %convert_element_type3A_147, %sub3A_175 : vector<16xf32>
        %add3A_177 = arith.addf %get3A_170, %mul3A_176 : vector<16xf32>
        %get3A_178 = arith.index_cast %scan3A_143 : i32 to index
        %get3A_179 = arith.constant 16 : index
        %get3A_180 = tpu.vector_load %arg9[%get3A_178, %get3A_179] {strides = array<i32>} : memref<64x128xf32, #tpu.memory_space<vmem>>, vector<1x16xf32>,
        %get3A_181 = vector.shape_cast %get3A_180 : vector<1x16xf32> to vector<16xf32>
        %add3A_182 = arith.addf %add3A_177, %get3A_181 : vector<16xf32>
        %swap3A_183 = arith.index_cast %scan3A_143 : i32 to index
        %swap3A_184 = arith.constant 16 : index
        %swap3A_185 = tpu.vector_load %arg12[%swap3A_183, %swap3A_184] {strides = array<i32>} : memref<56x64xf32, #tpu.memory_space<vmem>>, vector<1x16xf32>,
        %swap3A_186 = vector.shape_cast %swap3A_185 : vector<1x16xf32> to vector<16xf32>
        %swap3A_187 = vector.shape_cast %add3A_182 : vector<16xf32> to vector<1x16xf32>
        tpu.vector_store %arg12[%swap3A_183, %swap3A_184], %swap3A_187 {strides = array<i32>} : memref<56x64xf32, #tpu.memory_space<vmem>>, vector<1x16xf32>,
        %get3A_188 = arith.index_cast %scan3A_143 : i32 to index
        %get3A_189 = arith.constant 32 : index
        %get3A_190 = tpu.vector_load %arg10[%get3A_188, %get3A_189] {strides = array<i32>} : memref<56x128xf32, #tpu.memory_space<vmem>>, vector<1x16xf32>,
        %get3A_191 = vector.shape_cast %get3A_190 : vector<1x16xf32> to vector<16xf32>
        %get3A_192 = arith.index_cast %scan3A_143 : i32 to index
        %get3A_193 = arith.constant 96 : index
        %get3A_194 = tpu.vector_load %arg10[%get3A_192, %get3A_193] {strides = array<i32>} : memref<56x128xf32, #tpu.memory_space<vmem>>, vector<1x16xf32>,
        %get3A_195 = vector.shape_cast %get3A_194 : vector<1x16xf32> to vector<16xf32>
        %sub3A_196 = arith.subf %get3A_195, %get3A_191 : vector<16xf32>
        %mul3A_197 = arith.mulf %convert_element_type3A_147, %sub3A_196 : vector<16xf32>
        %add3A_198 = arith.addf %get3A_191, %mul3A_197 : vector<16xf32>
        %get3A_199 = arith.index_cast %scan3A_143 : i32 to index
        %get3A_200 = arith.constant 32 : index
        %get3A_201 = tpu.vector_load %arg9[%get3A_199, %get3A_200] {strides = array<i32>} : memref<64x128xf32, #tpu.memory_space<vmem>>, vector<1x16xf32>,
        %get3A_202 = vector.shape_cast %get3A_201 : vector<1x16xf32> to vector<16xf32>
        %add3A_203 = arith.addf %add3A_198, %get3A_202 : vector<16xf32>
        %swap3A_204 = arith.index_cast %scan3A_143 : i32 to index
        %swap3A_205 = arith.constant 32 : index
        %swap3A_206 = tpu.vector_load %arg12[%swap3A_204, %swap3A_205] {strides = array<i32>} : memref<56x64xf32, #tpu.memory_space<vmem>>, vector<1x16xf32>,
        %swap3A_207 = vector.shape_cast %swap3A_206 : vector<1x16xf32> to vector<16xf32>
        %swap3A_208 = vector.shape_cast %add3A_203 : vector<16xf32> to vector<1x16xf32>
        tpu.vector_store %arg12[%swap3A_204, %swap3A_205], %swap3A_208 {strides = array<i32>} : memref<56x64xf32, #tpu.memory_space<vmem>>, vector<1x16xf32>,
        %get3A_209 = arith.index_cast %scan3A_143 : i32 to index
        %get3A_210 = arith.constant 48 : index
        %get3A_211 = tpu.vector_load %arg10[%get3A_209, %get3A_210] {strides = array<i32>} : memref<56x128xf32, #tpu.memory_space<vmem>>, vector<1x16xf32>,
        %get3A_212 = vector.shape_cast %get3A_211 : vector<1x16xf32> to vector<16xf32>
        %get3A_213 = arith.index_cast %scan3A_143 : i32 to index
        %get3A_214 = arith.constant 112 : index
        %get3A_215 = tpu.vector_load %arg10[%get3A_213, %get3A_214] {strides = array<i32>} : memref<56x128xf32, #tpu.memory_space<vmem>>, vector<1x16xf32>,
        %get3A_216 = vector.shape_cast %get3A_215 : vector<1x16xf32> to vector<16xf32>
        %sub3A_217 = arith.subf %get3A_216, %get3A_212 : vector<16xf32>
        %mul3A_218 = arith.mulf %convert_element_type3A_147, %sub3A_217 : vector<16xf32>
        %add3A_219 = arith.addf %get3A_212, %mul3A_218 : vector<16xf32>
        %get3A_220 = arith.index_cast %scan3A_143 : i32 to index
        %get3A_221 = arith.constant 48 : index
        %get3A_222 = tpu.vector_load %arg9[%get3A_220, %get3A_221] {strides = array<i32>} : memref<64x128xf32, #tpu.memory_space<vmem>>, vector<1x16xf32>,
        %get3A_223 = vector.shape_cast %get3A_222 : vector<1x16xf32> to vector<16xf32>
        %add3A_224 = arith.addf %add3A_219, %get3A_223 : vector<16xf32>
        %swap3A_225 = arith.index_cast %scan3A_143 : i32 to index
        %swap3A_226 = arith.constant 48 : index
        %swap3A_227 = tpu.vector_load %arg12[%swap3A_225, %swap3A_226] {strides = array<i32>} : memref<56x64xf32, #tpu.memory_space<vmem>>, vector<1x16xf32>,
        %swap3A_228 = vector.shape_cast %swap3A_227 : vector<1x16xf32> to vector<16xf32>
        %swap3A_229 = vector.shape_cast %add3A_224 : vector<16xf32> to vector<1x16xf32>
        tpu.vector_store %arg12[%swap3A_225, %swap3A_226], %swap3A_229 {strides = array<i32>} : memref<56x64xf32, #tpu.memory_space<vmem>>, vector<1x16xf32>,
      }
      %scan3A_73 = arith.constant 50 : i32
      %add3A_74 = arith.constant 2 : i32
      %add3A_75 = arith.addi %add3A_58, %add3A_74 : i32
      %lt3A = arith.constant 128 : i32
      %lt3A_76 = arith.cmpi slt, %add3A_75, %lt3A : i32
      %convert_element_type3A = arith.extui %lt3A_76 : i1 to i32
      %cond3A = arith.constant 0 : i32
      %cond3A_77 = arith.cmpi ne, %convert_element_type3A, %cond3A : i32
      scf.if %cond3A_77 {
        %add3A_143 = arith.constant 2 : i32
        %add3A_144 = arith.addi %add3A_58, %add3A_143 : i32
        %dma_start3A_145 = arith.constant 0 : i32
        %dma_start3A_146 = arith.constant 0 : i32
        %dma_start3A_147 = tpu.memref_slice %arg10[%dma_start3A_145, %dma_start3A_146] : memref<56x128xf32, #tpu.memory_space<vmem>> -> memref<50x128xf32, #tpu.memory_space<vmem>>
        %dma_start3A_148 = arith.constant 0 : i32
        %dma_start3A_149 = tpu.memref_slice %arg7[%add3A_144, %dma_start3A_148] : memref<128x128xi32, #tpu.memory_space<vmem>> -> memref<1x50xi32, #tpu.memory_space<vmem>>
        %dma_start3A_150 = tpu.memref_squeeze %dma_start3A_149 : memref<1x50xi32, #tpu.memory_space<vmem>> -> memref<50xi32, #tpu.memory_space<vmem>>
        %dma_start3A_151 = arith.constant 0 : i32
        %dma_start3A_152 = arith.constant 0 : i32
        %dma_start3A_153 = tpu.memref_slice %arg4[%dma_start3A_151, %dma_start3A_152] : memref<507904x128xf32, #tpu.memory_space<hbm>> -> memref<507904x128xf32, #tpu.memory_space<hbm>>
        tpu.enqueue_indirect_dma source(%dma_start3A_153 : memref<507904x128xf32, #tpu.memory_space<hbm>>) target(%dma_start3A_147 : memref<50x128xf32, #tpu.memory_space<vmem>>) offsets(%dma_start3A_150 : memref<50xi32, #tpu.memory_space<vmem>>) semaphore(%arg14 : memref<!tpu.dma_semaphore, #tpu.memory_space<semaphore_mem>>)
      } else {
      }
      %ge3A = arith.constant 2 : i32
      %ge3A_78 = arith.cmpi sge, %add3A_58, %ge3A : i32
      %convert_element_type3A_79 = arith.extui %ge3A_78 : i1 to i32
      %cond3A_80 = arith.constant 0 : i32
      %cond3A_81 = arith.cmpi ne, %convert_element_type3A_79, %cond3A_80 : i32
      scf.if %cond3A_81 {
        %add3A_143 = arith.addi %mul3A_2, %add3A_58 : i32
        %dma_wait3A_144 = arith.constant 0 : i32
        %dma_wait3A_145 = arith.constant 0 : i32
        %dma_wait3A_146 = tpu.memref_slice %arg12[%dma_wait3A_144, %dma_wait3A_145] : memref<56x64xf32, #tpu.memory_space<vmem>> -> memref<50x64xf32, #tpu.memory_space<vmem>>
        %dma_wait3A_147 = arith.constant 0 : i32
        %dma_wait3A_148 = arith.constant 0 : i32
        %dma_wait3A_149 = tpu.memref_slice %arg6[%add3A_143, %dma_wait3A_147, %dma_wait3A_148] : memref<4096x50x64xf32, #tpu.memory_space<hbm>> -> memref<1x50x64xf32, #tpu.memory_space<hbm>>
        %dma_wait3A_150 = tpu.memref_squeeze %dma_wait3A_149 : memref<1x50x64xf32, #tpu.memory_space<hbm>> -> memref<50x64xf32, #tpu.memory_space<hbm>>
        %dma_wait3A_151 = arith.constant 0 : i32
        %dma_wait3A_152 = arith.constant 0 : i32
        %dma_wait3A_153 = tpu.memref_slice %arg6[%add3A_143, %dma_wait3A_151, %dma_wait3A_152] : memref<4096x50x64xf32, #tpu.memory_space<hbm>> -> memref<1x50x64xf32, #tpu.memory_space<hbm>>
        %dma_wait3A_154 = tpu.memref_squeeze %dma_wait3A_153 : memref<1x50x64xf32, #tpu.memory_space<hbm>> -> memref<50x64xf32, #tpu.memory_space<hbm>>
        %dma_wait3A_155 = arith.constant 0 : i32
        %dma_wait3A_156 = arith.constant 0 : i32
        %dma_wait3A_157 = tpu.memref_slice %arg12[%dma_wait3A_155, %dma_wait3A_156] : memref<56x64xf32, #tpu.memory_space<vmem>> -> memref<50x64xf32, #tpu.memory_space<vmem>>
        tpu.wait_dma2 semaphore(%arg16 : memref<!tpu.dma_semaphore, #tpu.memory_space<semaphore_mem>>) src(%dma_wait3A_157 : memref<50x64xf32, #tpu.memory_space<vmem>>) dst(%dma_wait3A_154 : memref<50x64xf32, #tpu.memory_space<hbm>>)
      } else {
      }
      %add3A_82 = arith.addi %mul3A_2, %add3A_58 : i32
      %dma_start3A_83 = arith.constant 0 : i32
      %dma_start3A_84 = arith.constant 0 : i32
      %dma_start3A_85 = tpu.memref_slice %arg12[%dma_start3A_83, %dma_start3A_84] : memref<56x64xf32, #tpu.memory_space<vmem>> -> memref<50x64xf32, #tpu.memory_space<vmem>>
      %dma_start3A_86 = arith.constant 0 : i32
      %dma_start3A_87 = arith.constant 0 : i32
      %dma_start3A_88 = tpu.memref_slice %arg6[%add3A_82, %dma_start3A_86, %dma_start3A_87] : memref<4096x50x64xf32, #tpu.memory_space<hbm>> -> memref<1x50x64xf32, #tpu.memory_space<hbm>>
      %dma_start3A_89 = tpu.memref_squeeze %dma_start3A_88 : memref<1x50x64xf32, #tpu.memory_space<hbm>> -> memref<50x64xf32, #tpu.memory_space<hbm>>
      %dma_start3A_90 = arith.constant 0 : i32
      %dma_start3A_91 = arith.constant 0 : i32
      %dma_start3A_92 = tpu.memref_slice %arg6[%add3A_82, %dma_start3A_90, %dma_start3A_91] : memref<4096x50x64xf32, #tpu.memory_space<hbm>> -> memref<1x50x64xf32, #tpu.memory_space<hbm>>
      %dma_start3A_93 = tpu.memref_squeeze %dma_start3A_92 : memref<1x50x64xf32, #tpu.memory_space<hbm>> -> memref<50x64xf32, #tpu.memory_space<hbm>>
      %dma_start3A_94 = arith.constant 0 : i32
      %dma_start3A_95 = arith.constant 0 : i32
      %dma_start3A_96 = tpu.memref_slice %arg12[%dma_start3A_94, %dma_start3A_95] : memref<56x64xf32, #tpu.memory_space<vmem>> -> memref<50x64xf32, #tpu.memory_space<vmem>>
      tpu.enqueue_dma source(%dma_start3A_96 : memref<50x64xf32, #tpu.memory_space<vmem>>) target(%dma_start3A_93 : memref<50x64xf32, #tpu.memory_space<hbm>>) target_semaphore(%arg16 : memref<!tpu.dma_semaphore, #tpu.memory_space<semaphore_mem>>)
      %mul3A_97 = arith.constant 2 : i32
      %mul3A_98 = arith.muli %mul3A_97, %scan3A_54 : i32
      %add3A_99 = arith.constant 1 : i32
      %add3A_100 = arith.addi %mul3A_98, %add3A_99 : i32
      %dma_wait3A_101 = arith.constant 0 : i32
      %dma_wait3A_102 = arith.constant 0 : i32
      %dma_wait3A_103 = tpu.memref_slice %arg11[%dma_wait3A_101, %dma_wait3A_102] : memref<56x128xf32, #tpu.memory_space<vmem>> -> memref<50x128xf32, #tpu.memory_space<vmem>>
      %dma_wait3A_104 = arith.constant 0 : i32
      %dma_wait3A_105 = tpu.memref_slice %arg7[%add3A_100, %dma_wait3A_104] : memref<128x128xi32, #tpu.memory_space<vmem>> -> memref<1x50xi32, #tpu.memory_space<vmem>>
      %dma_wait3A_106 = tpu.memref_squeeze %dma_wait3A_105 : memref<1x50xi32, #tpu.memory_space<vmem>> -> memref<50xi32, #tpu.memory_space<vmem>>
      %dma_wait3A_107 = arith.constant 0 : i32
      %dma_wait3A_108 = arith.constant 0 : i32
      %dma_wait3A_109 = tpu.memref_slice %arg4[%dma_wait3A_107, %dma_wait3A_108] : memref<507904x128xf32, #tpu.memory_space<hbm>> -> memref<507904x128xf32, #tpu.memory_space<hbm>>
      tpu.wait_indirect_dma semaphore(%arg15 : memref<!tpu.dma_semaphore, #tpu.memory_space<semaphore_mem>>) src(%dma_wait3A_109 : memref<507904x128xf32, #tpu.memory_space<hbm>>) dst(%dma_wait3A_103 : memref<50x128xf32, #tpu.memory_space<vmem>>)
      %scan3A_110 = arith.constant 0 : i32
      %scan3A_111 = arith.constant 0 : i32
      %scan3A_112 = arith.constant 50 : i32
      %scan3A_113 = arith.addi %scan3A_111, %scan3A_112 : i32
      %scan3A_114 = arith.constant 1 : i32
      scf.for %scan3A_143 = %scan3A_111 to %scan3A_113 step %scan3A_114  : i32 {
        %get3A = arith.index_cast %add3A_100 : i32 to index
        %get3A_144 = arith.index_cast %scan3A_143 : i32 to index
        %get3A_145 = tpu.vector_load %arg8[%get3A, %get3A_144] {strides = array<i32>} : memref<128x128xi32, #tpu.memory_space<vmem>>, vector<1x16xi32>,
        %get3A_146 = vector.shape_cast %get3A_145 : vector<1x16xi32> to vector<16xi32>
        %slice3A = vector.extract_strided_slice %get3A_146 {offsets = [0], sizes = [1], strides = [1]} : vector<16xi32> to vector<1xi32>
        %squeeze3A = vector.extract %slice3A[0] : i32 from vector<1xi32>
        %broadcast_in_dim3A = vector.broadcast %squeeze3A : i32 to vector<16xi32>
        %convert_element_type3A_147 = arith.sitofp %broadcast_in_dim3A : vector<16xi32> to vector<16xf32>
        %get3A_148 = arith.index_cast %scan3A_143 : i32 to index
        %get3A_149 = arith.constant 0 : index
        %get3A_150 = tpu.vector_load %arg11[%get3A_148, %get3A_149] {strides = array<i32>} : memref<56x128xf32, #tpu.memory_space<vmem>>, vector<1x16xf32>,
        %get3A_151 = vector.shape_cast %get3A_150 : vector<1x16xf32> to vector<16xf32>
        %get3A_152 = arith.index_cast %scan3A_143 : i32 to index
        %get3A_153 = arith.constant 64 : index
        %get3A_154 = tpu.vector_load %arg11[%get3A_152, %get3A_153] {strides = array<i32>} : memref<56x128xf32, #tpu.memory_space<vmem>>, vector<1x16xf32>,
        %get3A_155 = vector.shape_cast %get3A_154 : vector<1x16xf32> to vector<16xf32>
        %sub3A = arith.subf %get3A_155, %get3A_151 : vector<16xf32>
        %mul3A_156 = arith.mulf %convert_element_type3A_147, %sub3A : vector<16xf32>
        %add3A_157 = arith.addf %get3A_151, %mul3A_156 : vector<16xf32>
        %get3A_158 = arith.index_cast %scan3A_143 : i32 to index
        %get3A_159 = arith.constant 0 : index
        %get3A_160 = tpu.vector_load %arg9[%get3A_158, %get3A_159] {strides = array<i32>} : memref<64x128xf32, #tpu.memory_space<vmem>>, vector<1x16xf32>,
        %get3A_161 = vector.shape_cast %get3A_160 : vector<1x16xf32> to vector<16xf32>
        %add3A_162 = arith.addf %add3A_157, %get3A_161 : vector<16xf32>
        %swap3A = arith.index_cast %scan3A_143 : i32 to index
        %swap3A_163 = arith.constant 0 : index
        %swap3A_164 = tpu.vector_load %arg13[%swap3A, %swap3A_163] {strides = array<i32>} : memref<56x64xf32, #tpu.memory_space<vmem>>, vector<1x16xf32>,
        %swap3A_165 = vector.shape_cast %swap3A_164 : vector<1x16xf32> to vector<16xf32>
        %swap3A_166 = vector.shape_cast %add3A_162 : vector<16xf32> to vector<1x16xf32>
        tpu.vector_store %arg13[%swap3A, %swap3A_163], %swap3A_166 {strides = array<i32>} : memref<56x64xf32, #tpu.memory_space<vmem>>, vector<1x16xf32>,
        %get3A_167 = arith.index_cast %scan3A_143 : i32 to index
        %get3A_168 = arith.constant 16 : index
        %get3A_169 = tpu.vector_load %arg11[%get3A_167, %get3A_168] {strides = array<i32>} : memref<56x128xf32, #tpu.memory_space<vmem>>, vector<1x16xf32>,
        %get3A_170 = vector.shape_cast %get3A_169 : vector<1x16xf32> to vector<16xf32>
        %get3A_171 = arith.index_cast %scan3A_143 : i32 to index
        %get3A_172 = arith.constant 80 : index
        %get3A_173 = tpu.vector_load %arg11[%get3A_171, %get3A_172] {strides = array<i32>} : memref<56x128xf32, #tpu.memory_space<vmem>>, vector<1x16xf32>,
        %get3A_174 = vector.shape_cast %get3A_173 : vector<1x16xf32> to vector<16xf32>
        %sub3A_175 = arith.subf %get3A_174, %get3A_170 : vector<16xf32>
        %mul3A_176 = arith.mulf %convert_element_type3A_147, %sub3A_175 : vector<16xf32>
        %add3A_177 = arith.addf %get3A_170, %mul3A_176 : vector<16xf32>
        %get3A_178 = arith.index_cast %scan3A_143 : i32 to index
        %get3A_179 = arith.constant 16 : index
        %get3A_180 = tpu.vector_load %arg9[%get3A_178, %get3A_179] {strides = array<i32>} : memref<64x128xf32, #tpu.memory_space<vmem>>, vector<1x16xf32>,
        %get3A_181 = vector.shape_cast %get3A_180 : vector<1x16xf32> to vector<16xf32>
        %add3A_182 = arith.addf %add3A_177, %get3A_181 : vector<16xf32>
        %swap3A_183 = arith.index_cast %scan3A_143 : i32 to index
        %swap3A_184 = arith.constant 16 : index
        %swap3A_185 = tpu.vector_load %arg13[%swap3A_183, %swap3A_184] {strides = array<i32>} : memref<56x64xf32, #tpu.memory_space<vmem>>, vector<1x16xf32>,
        %swap3A_186 = vector.shape_cast %swap3A_185 : vector<1x16xf32> to vector<16xf32>
        %swap3A_187 = vector.shape_cast %add3A_182 : vector<16xf32> to vector<1x16xf32>
        tpu.vector_store %arg13[%swap3A_183, %swap3A_184], %swap3A_187 {strides = array<i32>} : memref<56x64xf32, #tpu.memory_space<vmem>>, vector<1x16xf32>,
        %get3A_188 = arith.index_cast %scan3A_143 : i32 to index
        %get3A_189 = arith.constant 32 : index
        %get3A_190 = tpu.vector_load %arg11[%get3A_188, %get3A_189] {strides = array<i32>} : memref<56x128xf32, #tpu.memory_space<vmem>>, vector<1x16xf32>,
        %get3A_191 = vector.shape_cast %get3A_190 : vector<1x16xf32> to vector<16xf32>
        %get3A_192 = arith.index_cast %scan3A_143 : i32 to index
        %get3A_193 = arith.constant 96 : index
        %get3A_194 = tpu.vector_load %arg11[%get3A_192, %get3A_193] {strides = array<i32>} : memref<56x128xf32, #tpu.memory_space<vmem>>, vector<1x16xf32>,
        %get3A_195 = vector.shape_cast %get3A_194 : vector<1x16xf32> to vector<16xf32>
        %sub3A_196 = arith.subf %get3A_195, %get3A_191 : vector<16xf32>
        %mul3A_197 = arith.mulf %convert_element_type3A_147, %sub3A_196 : vector<16xf32>
        %add3A_198 = arith.addf %get3A_191, %mul3A_197 : vector<16xf32>
        %get3A_199 = arith.index_cast %scan3A_143 : i32 to index
        %get3A_200 = arith.constant 32 : index
        %get3A_201 = tpu.vector_load %arg9[%get3A_199, %get3A_200] {strides = array<i32>} : memref<64x128xf32, #tpu.memory_space<vmem>>, vector<1x16xf32>,
        %get3A_202 = vector.shape_cast %get3A_201 : vector<1x16xf32> to vector<16xf32>
        %add3A_203 = arith.addf %add3A_198, %get3A_202 : vector<16xf32>
        %swap3A_204 = arith.index_cast %scan3A_143 : i32 to index
        %swap3A_205 = arith.constant 32 : index
        %swap3A_206 = tpu.vector_load %arg13[%swap3A_204, %swap3A_205] {strides = array<i32>} : memref<56x64xf32, #tpu.memory_space<vmem>>, vector<1x16xf32>,
        %swap3A_207 = vector.shape_cast %swap3A_206 : vector<1x16xf32> to vector<16xf32>
        %swap3A_208 = vector.shape_cast %add3A_203 : vector<16xf32> to vector<1x16xf32>
        tpu.vector_store %arg13[%swap3A_204, %swap3A_205], %swap3A_208 {strides = array<i32>} : memref<56x64xf32, #tpu.memory_space<vmem>>, vector<1x16xf32>,
        %get3A_209 = arith.index_cast %scan3A_143 : i32 to index
        %get3A_210 = arith.constant 48 : index
        %get3A_211 = tpu.vector_load %arg11[%get3A_209, %get3A_210] {strides = array<i32>} : memref<56x128xf32, #tpu.memory_space<vmem>>, vector<1x16xf32>,
        %get3A_212 = vector.shape_cast %get3A_211 : vector<1x16xf32> to vector<16xf32>
        %get3A_213 = arith.index_cast %scan3A_143 : i32 to index
        %get3A_214 = arith.constant 112 : index
        %get3A_215 = tpu.vector_load %arg11[%get3A_213, %get3A_214] {strides = array<i32>} : memref<56x128xf32, #tpu.memory_space<vmem>>, vector<1x16xf32>,
        %get3A_216 = vector.shape_cast %get3A_215 : vector<1x16xf32> to vector<16xf32>
        %sub3A_217 = arith.subf %get3A_216, %get3A_212 : vector<16xf32>
        %mul3A_218 = arith.mulf %convert_element_type3A_147, %sub3A_217 : vector<16xf32>
        %add3A_219 = arith.addf %get3A_212, %mul3A_218 : vector<16xf32>
        %get3A_220 = arith.index_cast %scan3A_143 : i32 to index
        %get3A_221 = arith.constant 48 : index
        %get3A_222 = tpu.vector_load %arg9[%get3A_220, %get3A_221] {strides = array<i32>} : memref<64x128xf32, #tpu.memory_space<vmem>>, vector<1x16xf32>,
        %get3A_223 = vector.shape_cast %get3A_222 : vector<1x16xf32> to vector<16xf32>
        %add3A_224 = arith.addf %add3A_219, %get3A_223 : vector<16xf32>
        %swap3A_225 = arith.index_cast %scan3A_143 : i32 to index
        %swap3A_226 = arith.constant 48 : index
        %swap3A_227 = tpu.vector_load %arg13[%swap3A_225, %swap3A_226] {strides = array<i32>} : memref<56x64xf32, #tpu.memory_space<vmem>>, vector<1x16xf32>,
        %swap3A_228 = vector.shape_cast %swap3A_227 : vector<1x16xf32> to vector<16xf32>
        %swap3A_229 = vector.shape_cast %add3A_224 : vector<16xf32> to vector<1x16xf32>
        tpu.vector_store %arg13[%swap3A_225, %swap3A_226], %swap3A_229 {strides = array<i32>} : memref<56x64xf32, #tpu.memory_space<vmem>>, vector<1x16xf32>,
      }
      %scan3A_115 = arith.constant 50 : i32
      %add3A_116 = arith.constant 2 : i32
      %add3A_117 = arith.addi %add3A_100, %add3A_116 : i32
      %lt3A_118 = arith.constant 128 : i32
      %lt3A_119 = arith.cmpi slt, %add3A_117, %lt3A_118 : i32
      %convert_element_type3A_120 = arith.extui %lt3A_119 : i1 to i32
      %cond3A_121 = arith.constant 0 : i32
      %cond3A_122 = arith.cmpi ne, %convert_element_type3A_120, %cond3A_121 : i32
      scf.if %cond3A_122 {
        %add3A_143 = arith.constant 2 : i32
        %add3A_144 = arith.addi %add3A_100, %add3A_143 : i32
        %dma_start3A_145 = arith.constant 0 : i32
        %dma_start3A_146 = arith.constant 0 : i32
        %dma_start3A_147 = tpu.memref_slice %arg11[%dma_start3A_145, %dma_start3A_146] : memref<56x128xf32, #tpu.memory_space<vmem>> -> memref<50x128xf32, #tpu.memory_space<vmem>>
        %dma_start3A_148 = arith.constant 0 : i32
        %dma_start3A_149 = tpu.memref_slice %arg7[%add3A_144, %dma_start3A_148] : memref<128x128xi32, #tpu.memory_space<vmem>> -> memref<1x50xi32, #tpu.memory_space<vmem>>
        %dma_start3A_150 = tpu.memref_squeeze %dma_start3A_149 : memref<1x50xi32, #tpu.memory_space<vmem>> -> memref<50xi32, #tpu.memory_space<vmem>>
        %dma_start3A_151 = arith.constant 0 : i32
        %dma_start3A_152 = arith.constant 0 : i32
        %dma_start3A_153 = tpu.memref_slice %arg4[%dma_start3A_151, %dma_start3A_152] : memref<507904x128xf32, #tpu.memory_space<hbm>> -> memref<507904x128xf32, #tpu.memory_space<hbm>>
        tpu.enqueue_indirect_dma source(%dma_start3A_153 : memref<507904x128xf32, #tpu.memory_space<hbm>>) target(%dma_start3A_147 : memref<50x128xf32, #tpu.memory_space<vmem>>) offsets(%dma_start3A_150 : memref<50xi32, #tpu.memory_space<vmem>>) semaphore(%arg15 : memref<!tpu.dma_semaphore, #tpu.memory_space<semaphore_mem>>)
      } else {
      }
      %ge3A_123 = arith.constant 2 : i32
      %ge3A_124 = arith.cmpi sge, %add3A_100, %ge3A_123 : i32
      %convert_element_type3A_125 = arith.extui %ge3A_124 : i1 to i32
      %cond3A_126 = arith.constant 0 : i32
      %cond3A_127 = arith.cmpi ne, %convert_element_type3A_125, %cond3A_126 : i32
      scf.if %cond3A_127 {
        %add3A_143 = arith.addi %mul3A_2, %add3A_100 : i32
        %dma_wait3A_144 = arith.constant 0 : i32
        %dma_wait3A_145 = arith.constant 0 : i32
        %dma_wait3A_146 = tpu.memref_slice %arg13[%dma_wait3A_144, %dma_wait3A_145] : memref<56x64xf32, #tpu.memory_space<vmem>> -> memref<50x64xf32, #tpu.memory_space<vmem>>
        %dma_wait3A_147 = arith.constant 0 : i32
        %dma_wait3A_148 = arith.constant 0 : i32
        %dma_wait3A_149 = tpu.memref_slice %arg6[%add3A_143, %dma_wait3A_147, %dma_wait3A_148] : memref<4096x50x64xf32, #tpu.memory_space<hbm>> -> memref<1x50x64xf32, #tpu.memory_space<hbm>>
        %dma_wait3A_150 = tpu.memref_squeeze %dma_wait3A_149 : memref<1x50x64xf32, #tpu.memory_space<hbm>> -> memref<50x64xf32, #tpu.memory_space<hbm>>
        %dma_wait3A_151 = arith.constant 0 : i32
        %dma_wait3A_152 = arith.constant 0 : i32
        %dma_wait3A_153 = tpu.memref_slice %arg6[%add3A_143, %dma_wait3A_151, %dma_wait3A_152] : memref<4096x50x64xf32, #tpu.memory_space<hbm>> -> memref<1x50x64xf32, #tpu.memory_space<hbm>>
        %dma_wait3A_154 = tpu.memref_squeeze %dma_wait3A_153 : memref<1x50x64xf32, #tpu.memory_space<hbm>> -> memref<50x64xf32, #tpu.memory_space<hbm>>
        %dma_wait3A_155 = arith.constant 0 : i32
        %dma_wait3A_156 = arith.constant 0 : i32
        %dma_wait3A_157 = tpu.memref_slice %arg13[%dma_wait3A_155, %dma_wait3A_156] : memref<56x64xf32, #tpu.memory_space<vmem>> -> memref<50x64xf32, #tpu.memory_space<vmem>>
        tpu.wait_dma2 semaphore(%arg17 : memref<!tpu.dma_semaphore, #tpu.memory_space<semaphore_mem>>) src(%dma_wait3A_157 : memref<50x64xf32, #tpu.memory_space<vmem>>) dst(%dma_wait3A_154 : memref<50x64xf32, #tpu.memory_space<hbm>>)
      } else {
      }
      %add3A_128 = arith.addi %mul3A_2, %add3A_100 : i32
      %dma_start3A_129 = arith.constant 0 : i32
      %dma_start3A_130 = arith.constant 0 : i32
      %dma_start3A_131 = tpu.memref_slice %arg13[%dma_start3A_129, %dma_start3A_130] : memref<56x64xf32, #tpu.memory_space<vmem>> -> memref<50x64xf32, #tpu.memory_space<vmem>>
      %dma_start3A_132 = arith.constant 0 : i32
      %dma_start3A_133 = arith.constant 0 : i32
      %dma_start3A_134 = tpu.memref_slice %arg6[%add3A_128, %dma_start3A_132, %dma_start3A_133] : memref<4096x50x64xf32, #tpu.memory_space<hbm>> -> memref<1x50x64xf32, #tpu.memory_space<hbm>>
      %dma_start3A_135 = tpu.memref_squeeze %dma_start3A_134 : memref<1x50x64xf32, #tpu.memory_space<hbm>> -> memref<50x64xf32, #tpu.memory_space<hbm>>
      %dma_start3A_136 = arith.constant 0 : i32
      %dma_start3A_137 = arith.constant 0 : i32
      %dma_start3A_138 = tpu.memref_slice %arg6[%add3A_128, %dma_start3A_136, %dma_start3A_137] : memref<4096x50x64xf32, #tpu.memory_space<hbm>> -> memref<1x50x64xf32, #tpu.memory_space<hbm>>
      %dma_start3A_139 = tpu.memref_squeeze %dma_start3A_138 : memref<1x50x64xf32, #tpu.memory_space<hbm>> -> memref<50x64xf32, #tpu.memory_space<hbm>>
      %dma_start3A_140 = arith.constant 0 : i32
      %dma_start3A_141 = arith.constant 0 : i32
      %dma_start3A_142 = tpu.memref_slice %arg13[%dma_start3A_140, %dma_start3A_141] : memref<56x64xf32, #tpu.memory_space<vmem>> -> memref<50x64xf32, #tpu.memory_space<vmem>>
      tpu.enqueue_dma source(%dma_start3A_142 : memref<50x64xf32, #tpu.memory_space<vmem>>) target(%dma_start3A_139 : memref<50x64xf32, #tpu.memory_space<hbm>>) target_semaphore(%arg17 : memref<!tpu.dma_semaphore, #tpu.memory_space<semaphore_mem>>)
    }
    %scan3A_26 = arith.constant 64 : i32
    %dma_wait3A = arith.constant 0 : i32
    %dma_wait3A_27 = arith.constant 0 : i32
    %dma_wait3A_28 = tpu.memref_slice %arg12[%dma_wait3A, %dma_wait3A_27] : memref<56x64xf32, #tpu.memory_space<vmem>> -> memref<50x64xf32, #tpu.memory_space<vmem>>
    %dma_wait3A_29 = arith.constant 0 : i32
    %dma_wait3A_30 = arith.constant 0 : i32
    %dma_wait3A_31 = tpu.memref_slice %arg6[%mul3A_2, %dma_wait3A_29, %dma_wait3A_30] : memref<4096x50x64xf32, #tpu.memory_space<hbm>> -> memref<1x50x64xf32, #tpu.memory_space<hbm>>
    %dma_wait3A_32 = tpu.memref_squeeze %dma_wait3A_31 : memref<1x50x64xf32, #tpu.memory_space<hbm>> -> memref<50x64xf32, #tpu.memory_space<hbm>>
    %dma_wait3A_33 = arith.constant 0 : i32
    %dma_wait3A_34 = arith.constant 0 : i32
    %dma_wait3A_35 = tpu.memref_slice %arg6[%mul3A_2, %dma_wait3A_33, %dma_wait3A_34] : memref<4096x50x64xf32, #tpu.memory_space<hbm>> -> memref<1x50x64xf32, #tpu.memory_space<hbm>>
    %dma_wait3A_36 = tpu.memref_squeeze %dma_wait3A_35 : memref<1x50x64xf32, #tpu.memory_space<hbm>> -> memref<50x64xf32, #tpu.memory_space<hbm>>
    %dma_wait3A_37 = arith.constant 0 : i32
    %dma_wait3A_38 = arith.constant 0 : i32
    %dma_wait3A_39 = tpu.memref_slice %arg12[%dma_wait3A_37, %dma_wait3A_38] : memref<56x64xf32, #tpu.memory_space<vmem>> -> memref<50x64xf32, #tpu.memory_space<vmem>>
    tpu.wait_dma2 semaphore(%arg16 : memref<!tpu.dma_semaphore, #tpu.memory_space<semaphore_mem>>) src(%dma_wait3A_39 : memref<50x64xf32, #tpu.memory_space<vmem>>) dst(%dma_wait3A_36 : memref<50x64xf32, #tpu.memory_space<hbm>>)
    %dma_wait3A_40 = arith.constant 0 : i32
    %dma_wait3A_41 = arith.constant 0 : i32
    %dma_wait3A_42 = tpu.memref_slice %arg13[%dma_wait3A_40, %dma_wait3A_41] : memref<56x64xf32, #tpu.memory_space<vmem>> -> memref<50x64xf32, #tpu.memory_space<vmem>>
    %dma_wait3A_43 = arith.constant 0 : i32
    %dma_wait3A_44 = arith.constant 0 : i32
    %dma_wait3A_45 = tpu.memref_slice %arg6[%mul3A_2, %dma_wait3A_43, %dma_wait3A_44] : memref<4096x50x64xf32, #tpu.memory_space<hbm>> -> memref<1x50x64xf32, #tpu.memory_space<hbm>>
    %dma_wait3A_46 = tpu.memref_squeeze %dma_wait3A_45 : memref<1x50x64xf32, #tpu.memory_space<hbm>> -> memref<50x64xf32, #tpu.memory_space<hbm>>
    %dma_wait3A_47 = arith.constant 0 : i32
    %dma_wait3A_48 = arith.constant 0 : i32
    %dma_wait3A_49 = tpu.memref_slice %arg6[%mul3A_2, %dma_wait3A_47, %dma_wait3A_48] : memref<4096x50x64xf32, #tpu.memory_space<hbm>> -> memref<1x50x64xf32, #tpu.memory_space<hbm>>
    %dma_wait3A_50 = tpu.memref_squeeze %dma_wait3A_49 : memref<1x50x64xf32, #tpu.memory_space<hbm>> -> memref<50x64xf32, #tpu.memory_space<hbm>>
    %dma_wait3A_51 = arith.constant 0 : i32
    %dma_wait3A_52 = arith.constant 0 : i32
    %dma_wait3A_53 = tpu.memref_slice %arg13[%dma_wait3A_51, %dma_wait3A_52] : memref<56x64xf32, #tpu.memory_space<vmem>> -> memref<50x64xf32, #tpu.memory_space<vmem>>
    tpu.wait_dma2 semaphore(%arg17 : memref<!tpu.dma_semaphore, #tpu.memory_space<semaphore_mem>>) src(%dma_wait3A_53 : memref<50x64xf32, #tpu.memory_space<vmem>>) dst(%dma_wait3A_50 : memref<50x64xf32, #tpu.memory_space<hbm>>)
    return
  }
}

module attributes {stable_mosaic.version = 14 : i64} {
  func.func @_pack_body(%arg0: i32, %arg1: memref<64x16384xf32, #tpu.memory_space<vmem>>, %arg2: memref<64x64xf32, #tpu.memory_space<vmem>>, %arg3: memref<8192x128xf32, #tpu.memory_space<vmem>>) attributes {dimension_semantics = [#tpu.dimension_semantics<arbitrary>], iteration_bounds = array<i64: 62>, scalar_prefetch = 0 : i64, scratch_operands = 0 : i64, tpu.core_type = #tpu.core_type<tc>, window_params = [{transform_indices = @transform_0, window_bounds = array<i64: 64, 16384>}, {pipeline_mode = #tpu.pipeline_mode<synchronous>, transform_indices = @transform_1, window_bounds = array<i64: 64, 64>}, {transform_indices = @transform_2, window_bounds = array<i64: 8192, 128>}]} {
    %get3A = arith.constant 0 : index
    %get3A_0 = arith.constant 0 : index
    %get3A_1 = vector.load %arg1[%get3A, %get3A_0] : memref<64x16384xf32, #tpu.memory_space<vmem>>, vector<64x16384xf32>
    %get3A_2 = arith.constant 0 : index
    %get3A_3 = arith.constant 0 : index
    %get3A_4 = vector.load %arg2[%get3A_2, %get3A_3] : memref<64x64xf32, #tpu.memory_space<vmem>>, vector<64x64xf32>
    %dot_general3A = arith.constant dense<0.000000e+00> : vector<16384x64xf32>
    %dot_general3A_5 = tpu.matmul %get3A_1, %get3A_4, %dot_general3A {dimension_numbers = #tpu.dot_dimension_numbers<[0], [0], [1], [1], [0, 1, 1, 1], [], []>, transpose_lhs_hint = false} : vector<64x16384xf32>, vector<64x64xf32>, vector<16384x64xf32> -> vector<16384x64xf32>
    %slice3A = vector.extract_strided_slice %dot_general3A_5 {offsets = [0, 0], sizes = [8192, 64], strides = [1, 1]} : vector<16384x64xf32> to vector<8192x64xf32>
    %slice3A_6 = vector.extract_strided_slice %dot_general3A_5 {offsets = [8192, 0], sizes = [8192, 64], strides = [1, 1]} : vector<16384x64xf32> to vector<8192x64xf32>
    %concatenate3A = tpu.concatenate %slice3A, %slice3A_6 in 1 : vector<8192x64xf32>, vector<8192x64xf32> -> vector<8192x128xf32>
    %swap3A = arith.constant 0 : index
    %swap3A_7 = arith.constant 0 : index
    %swap3A_8 = vector.load %arg3[%swap3A, %swap3A_7] : memref<8192x128xf32, #tpu.memory_space<vmem>>, vector<8192x128xf32>
    tpu.vector_store %arg3[%swap3A, %swap3A_7], %concatenate3A {strides = array<i32>} : memref<8192x128xf32, #tpu.memory_space<vmem>>, vector<8192x128xf32>,
    return
  }
  func.func @transform_0(%arg0: i32) -> (i32, i32) {
    %c0_i32 = arith.constant 0 : i32
    %c0_i32_0 = arith.constant 0 : i32
    return %c0_i32, %arg0 : i32, i32
  }
  func.func @transform_1(%arg0: i32) -> (i32, i32) {
    %c0_i32 = arith.constant 0 : i32
    %c0_i32_0 = arith.constant 0 : i32
    %c0_i32_1 = arith.constant 0 : i32
    return %c0_i32, %c0_i32_0 : i32, i32
  }
  func.func @transform_2(%arg0: i32) -> (i32, i32) {
    %c0_i32 = arith.constant 0 : i32
    %c0_i32_0 = arith.constant 0 : i32
    return %arg0, %c0_i32 : i32, i32
  }
}

module attributes {stable_mosaic.version = 14 : i64} {
  func.func @_pos_rep_body(%arg0: memref<1x128xf32, #tpu.memory_space<vmem>>, %arg1: memref<1x128xf32, #tpu.memory_space<vmem>>, %arg2: memref<1x128xf32, #tpu.memory_space<vmem>>, %arg3: memref<64x128xf32, #tpu.memory_space<vmem>>) attributes {dimension_semantics = [], scalar_prefetch = 0 : i64, scratch_operands = 0 : i64, tpu.core_type = #tpu.core_type<tc>} {
    %iota3A = tpu.iota {dimensions = array<i32: 0>} : vector<64x1xi32>
    %convert_element_type3A = arith.sitofp %iota3A : vector<64x1xi32> to vector<64x1xf32>
    %get3A = arith.constant 0 : index
    %get3A_0 = arith.constant 0 : index
    %get3A_1 = vector.load %arg0[%get3A, %get3A_0] : memref<1x128xf32, #tpu.memory_space<vmem>>, vector<1x128xf32>
    %mul3A = arith.constant 6.28318548 : f32
    %mul3A_2 = vector.broadcast %mul3A : f32 to vector<64x1xf32>
    %mul3A_3 = arith.mulf %mul3A_2, %convert_element_type3A : vector<64x1xf32>
    %get3A_4 = arith.constant 0 : index
    %get3A_5 = arith.constant 0 : index
    %get3A_6 = vector.load %arg1[%get3A_4, %get3A_5] : memref<1x128xf32, #tpu.memory_space<vmem>>, vector<1x128xf32>
    %div3A = vector.broadcast %mul3A_3 : vector<64x1xf32> to vector<64x128xf32>
    %div3A_7 = vector.broadcast %get3A_6 : vector<1x128xf32> to vector<64x128xf32>
    %div3A_8 = arith.divf %div3A, %div3A_7 : vector<64x128xf32>
    %get3A_9 = arith.constant 0 : index
    %get3A_10 = arith.constant 0 : index
    %get3A_11 = vector.load %arg2[%get3A_9, %get3A_10] : memref<1x128xf32, #tpu.memory_space<vmem>>, vector<1x128xf32>
    %add3A = vector.broadcast %get3A_11 : vector<1x128xf32> to vector<64x128xf32>
    %add3A_12 = arith.addf %div3A_8, %add3A : vector<64x128xf32>
    %cos3A = math.cos %add3A_12 : vector<64x128xf32>
    %mul3A_13 = vector.broadcast %get3A_1 : vector<1x128xf32> to vector<64x128xf32>
    %mul3A_14 = arith.mulf %mul3A_13, %cos3A : vector<64x128xf32>
    %swap3A = arith.constant 0 : index
    %swap3A_15 = arith.constant 0 : index
    %swap3A_16 = vector.load %arg3[%swap3A, %swap3A_15] : memref<64x128xf32, #tpu.memory_space<vmem>>, vector<64x128xf32>
    tpu.vector_store %arg3[%swap3A, %swap3A_15], %mul3A_14 {strides = array<i32>} : memref<64x128xf32, #tpu.memory_space<vmem>>, vector<64x128xf32>,
    return
  }
}

module attributes {stable_mosaic.version = 14 : i64} {
  func.func @_pos_bcast_body(%arg0: i32, %arg1: memref<1x64x1xf32, #tpu.memory_space<vmem>>, %arg2: memref<1x64x1xf32, #tpu.memory_space<vmem>>, %arg3: memref<1x64x1xf32, #tpu.memory_space<vmem>>, %arg4: memref<50x64x1024xf32, #tpu.memory_space<vmem>>) attributes {dimension_semantics = [#tpu.dimension_semantics<arbitrary>], iteration_bounds = array<i64: 4>, scalar_prefetch = 0 : i64, scratch_operands = 0 : i64, tpu.core_type = #tpu.core_type<tc>, window_params = [{pipeline_mode = #tpu.pipeline_mode<synchronous>, transform_indices = @transform_0, window_bounds = array<i64: 1, 64, 1>}, {pipeline_mode = #tpu.pipeline_mode<synchronous>, transform_indices = @transform_1, window_bounds = array<i64: 1, 64, 1>}, {pipeline_mode = #tpu.pipeline_mode<synchronous>, transform_indices = @transform_2, window_bounds = array<i64: 1, 64, 1>}, {transform_indices = @transform_3, window_bounds = array<i64: 50, 64, 1024>}]} {
    %iota3A = tpu.iota {dimensions = array<i32: 0>} : vector<50x1x1xi32>
    %convert_element_type3A = arith.sitofp %iota3A : vector<50x1x1xi32> to vector<50x1x1xf32>
    %get3A = arith.constant 0 : index
    %get3A_0 = arith.constant 0 : index
    %get3A_1 = arith.constant 0 : index
    %get3A_2 = vector.load %arg1[%get3A, %get3A_0, %get3A_1] : memref<1x64x1xf32, #tpu.memory_space<vmem>>, vector<1x64x1xf32>
    %mul3A = arith.constant 6.28318548 : f32
    %mul3A_3 = vector.broadcast %mul3A : f32 to vector<50x1x1xf32>
    %mul3A_4 = arith.mulf %mul3A_3, %convert_element_type3A : vector<50x1x1xf32>
    %get3A_5 = arith.constant 0 : index
    %get3A_6 = arith.constant 0 : index
    %get3A_7 = arith.constant 0 : index
    %get3A_8 = vector.load %arg2[%get3A_5, %get3A_6, %get3A_7] : memref<1x64x1xf32, #tpu.memory_space<vmem>>, vector<1x64x1xf32>
    %div3A = vector.broadcast %mul3A_4 : vector<50x1x1xf32> to vector<50x64x1xf32>
    %div3A_9 = vector.broadcast %get3A_8 : vector<1x64x1xf32> to vector<50x64x1xf32>
    %div3A_10 = arith.divf %div3A, %div3A_9 : vector<50x64x1xf32>
    %get3A_11 = arith.constant 0 : index
    %get3A_12 = arith.constant 0 : index
    %get3A_13 = arith.constant 0 : index
    %get3A_14 = vector.load %arg3[%get3A_11, %get3A_12, %get3A_13] : memref<1x64x1xf32, #tpu.memory_space<vmem>>, vector<1x64x1xf32>
    %add3A = vector.broadcast %get3A_14 : vector<1x64x1xf32> to vector<50x64x1xf32>
    %add3A_15 = arith.addf %div3A_10, %add3A : vector<50x64x1xf32>
    %cos3A = math.cos %add3A_15 : vector<50x64x1xf32>
    %mul3A_16 = vector.broadcast %get3A_2 : vector<1x64x1xf32> to vector<50x64x1xf32>
    %mul3A_17 = arith.mulf %mul3A_16, %cos3A : vector<50x64x1xf32>
    %broadcast_in_dim3A = vector.shape_cast %mul3A_17 : vector<50x64x1xf32> to vector<50x64x1xf32>
    %broadcast_in_dim3A_18 = vector.broadcast %broadcast_in_dim3A : vector<50x64x1xf32> to vector<50x64x1024xf32>
    %swap3A = arith.constant 0 : index
    %swap3A_19 = arith.constant 0 : index
    %swap3A_20 = arith.constant 0 : index
    %swap3A_21 = vector.load %arg4[%swap3A, %swap3A_19, %swap3A_20] : memref<50x64x1024xf32, #tpu.memory_space<vmem>>, vector<50x64x1024xf32>
    tpu.vector_store %arg4[%swap3A, %swap3A_19, %swap3A_20], %broadcast_in_dim3A_18 {strides = array<i32>} : memref<50x64x1024xf32, #tpu.memory_space<vmem>>, vector<50x64x1024xf32>,
    return
  }
  func.func @transform_0(%arg0: i32) -> (i32, i32, i32) {
    %c0_i32 = arith.constant 0 : i32
    %c0_i32_0 = arith.constant 0 : i32
    %c0_i32_1 = arith.constant 0 : i32
    %c0_i32_2 = arith.constant 0 : i32
    return %c0_i32, %c0_i32_0, %c0_i32_1 : i32, i32, i32
  }
  func.func @transform_1(%arg0: i32) -> (i32, i32, i32) {
    %c0_i32 = arith.constant 0 : i32
    %c0_i32_0 = arith.constant 0 : i32
    %c0_i32_1 = arith.constant 0 : i32
    %c0_i32_2 = arith.constant 0 : i32
    return %c0_i32, %c0_i32_0, %c0_i32_1 : i32, i32, i32
  }
  func.func @transform_2(%arg0: i32) -> (i32, i32, i32) {
    %c0_i32 = arith.constant 0 : i32
    %c0_i32_0 = arith.constant 0 : i32
    %c0_i32_1 = arith.constant 0 : i32
    %c0_i32_2 = arith.constant 0 : i32
    return %c0_i32, %c0_i32_0, %c0_i32_1 : i32, i32, i32
  }
  func.func @transform_3(%arg0: i32) -> (i32, i32, i32) {
    %c0_i32 = arith.constant 0 : i32
    %c0_i32_0 = arith.constant 0 : i32
    %c0_i32_1 = arith.constant 0 : i32
    return %c0_i32, %c0_i32_0, %arg0 : i32, i32, i32
  }
}

</mosaic_0001>

<sc_bundles>
// kernel: kernel.6.cloned.1.call-start
scs
__scs_entry_jumppad:
0x0: {  	(pc) =	sbr.rel $0x88, $3  }
0x1: {  	(tag) =	ssettag $0x0;
	lr =	simm.s32 $0x1  }
0x2: {  	[smem:$0x3F9C] =	sst lr;
	_ =	strace $0xD0000000  }
0x3: {  	_ = 	snop  }
0x4: {  	_ = 	snop  }
0x5: {  	_ = 	snop  }
0x6: {  	_ = 	snop  }
0x7: {  	_ = 	snop  }
__scs_overlays_trampoline_lowered:
0x8: {  	[smem:$0x3FAB] =	sst s0  }
0x9: {  	[smem:$0x3FAC] =	sst s1  }
0xa: {  	[smem:$0x3FAD] =	sst s2  }
0xb: {  	[smem:$0x3FAE] =	sst s3  }
0xc: {  	[smem:$0x3FAF] =	sst s4  }
0xd: {  	[smem:$0x3FB0] =	sst s5  }
0xe: {  	[smem:$0x3FB1] =	sst s6  }
0xf: {  	[smem:$0x3FB2] =	sst s7  }
0x10: {  	[smem:$0x3FB3] =	sst s8  }
0x11: {  	[smem:$0x3FB4] =	sst s9;
	s0 =	simm.s32 @!p0 $0x0  }
0x12: {  	s1 =	sld [smem:$0x3F9A];
	s0 =	simm.s32 @p0 $0x1  }
0x13: {  	[smem:$0x3FB5] =	sst s0;
	s0 =	simm.s32 @!p1 $0x0  }
0x14: {  	s2 =	sld [smem:$0x3F99];
	s0 =	simm.s32 @p1 $0x1  }
0x15: {  	[smem:$0x3FB6] =	sst s0;
	s0 =	simm.s32 @!p2 $0x0  }
0x16: {  	s3 =	sld [smem:$0x3FDB];
	s0 =	simm.s32 @p2 $0x1  }
0x17: {  	s4 =	simm.s32 $0x1BF5;
	[smem:$0x3FB8] =	sst s0  }
0x18: {  	s0 =	sld [smem:$0x3F9B];
	_ =	swait.ge [sflag:s4], $0x0  }
0x19: {  	s7 =	sld [smem:$0x3F9C]  }
0x1a: {  	s8 =	sadd.s32 $0xFFFFE003, lr  }
0x1b: {  	s9 =	sadd.s32 $0xFFFFFEF7, lr;
	s5 =	simm.s32 $0xFFFFFFFF;
	p2 =	slt.u32 s8, $0xFFFFF086  }
0x1c: {  	p1 =	slt.u32 s9, $0xF7A;
	s5 =	simm.s32 @!p2 $0x0  }
0x1d: {  	s5 =	simm.s32 @p1 $0x1;
	p0 =	seq.s32 s7, s2  }
0x1e: {  	s7 =	smul.u32 @!p0 $0xF7A, s2;
	p2 =	seq.s32 @!p0 s5, $0x0  }
0x1f: {  	s9 =	smul.u32 $0xF7A, s1;
	s8 =	simm.s32 @!p0 $0x1BF5;
	p2 =	por !p2, p0  }
0x20: {  	[sflag:s8] =	ssyncset.s32 @!p0 $0xFFFFF086;
	s6 =	sadd.s32 @!p0 s3, s7;
	s7 =	simm.s32 @!p0 $0x108  }
0x21: {  	s3 =	sadd.s32 s3, s9;
	s6 =	sadd.s32 @!p0 $0x88, s6;
	s7 =	simm.s32 @p2 $0x1082  }
0x22: {  	[simem:s7], [sflag:s8] =	dma.local @!p0 [hbm:s6], $0xF7A  }
0x23: {  	s9 =	sor.u32 $0xD0000000, s2;
	s6 =	simm.s32 $0x108;
	_ =	swait.ge @!p0 [sflag:s8], $0x0  }
0x24: {  	s3 =	sadd.s32 $0x88, s3;
	s6 =	simm.s32 @!p1 $0x1082;
	[sflag:s4] =	ssyncset.s32 $0xFFFFF086  }
0x25: {  	[simem:s6], [sflag:s4] =	dma.local [hbm:s3], $0xF7A  }
0x26: {  	[smem:$0x3F9C] =	sst s1;
	(tag) =	ssettag s2;
	_ =	strace s9  }
0x27: {  	s1 =	sld [smem:$0x3FAC]  }
0x28: {  	s2 =	sld [smem:$0x3FAD]  }
0x29: {  	s4 =	sld [smem:$0x3FAF]  }
0x2a: {  	p0 =	seq.s32 s5, $0x0;
	s5 =	sld [smem:$0x3FB0]  }
0x2b: {  	s6 =	sld [smem:$0x3FB1]  }
0x2c: {  	s7 =	sld [smem:$0x3FB2]  }
0x2d: {  	s3 =	simm.s32 $0x108;
	s8 =	sld [smem:$0x3FB3]  }
0x2e: {  	s3 =	simm.s32 @!p0 $0x1082;
	s9 =	sld [smem:$0x3FB4]  }
0x2f: {  	lr =	sadd.s32 s0, s3;
	s0 =	sld [smem:$0x3FAB]  }
0x30: {  	s3 =	sld [smem:$0x3FAE]  }
0x31: {  	[smem:$0x3FB7] =	sst s10  }
0x32: {  	s10 =	sld [smem:$0x3FB5];
	_ =	sdelay $0x3  }
0x33: {  	p0 =	seq.s32 s10, $0x1;
	s10 =	sld [smem:$0x3FB7];
	_ =	sdelay $0x3  }
0x34: {  	[smem:$0x3FB7] =	sst s10  }
0x35: {  	s10 =	sld [smem:$0x3FB6];
	_ =	sdelay $0x3  }
0x36: {  	p1 =	seq.s32 s10, $0x1;
	s10 =	sld [smem:$0x3FB7];
	_ =	sdelay $0x3  }
0x37: {  	[smem:$0x3FB7] =	sst s10  }
0x38: {  	s10 =	sld [smem:$0x3FB8]  }
0x39: {  	_ = 	snop;
	(pc) =	sbr.ind lr, $3  }
0x3a: {  	_ = 	snop  }
0x3b: {  	_ = 	snop  }
0x3c: {  	p2 =	seq.s32 s10, $0x1;
	s10 =	sld [smem:$0x3FB7]  }
0x3d: {  	_ =	shalt  }
0x3e: {  	_ =	shalt  }
0x3f: {  	_ =	shalt  }
0x40: {  	_ =	shalt  }
0x41: {  	_ =	shalt  }
0x42: {  	_ =	shalt  }
0x43: {  	_ =	shalt  }
0x44: {  	_ =	shalt  }
0x45: {  	_ =	shalt  }
0x46: {  	_ =	shalt  }
0x47: {  	_ =	shalt  }
0x48: {  	_ =	shalt  }
0x49: {  	_ =	shalt  }
0x4a: {  	_ =	shalt  }
0x4b: {  	_ =	shalt  }
0x4c: {  	_ =	shalt  }
0x4d: {  	_ =	shalt  }
0x4e: {  	_ =	shalt  }
0x4f: {  	_ =	shalt  }
0x50: {  	_ =	shalt  }
0x51: {  	_ =	shalt  }
0x52: {  	_ =	shalt  }
0x53: {  	_ =	shalt  }
0x54: {  	_ =	shalt  }
0x55: {  	_ =	shalt  }
0x56: {  	_ =	shalt  }
0x57: {  	_ =	shalt  }
0x58: {  	_ =	shalt  }
0x59: {  	_ =	shalt  }
0x5a: {  	_ =	shalt  }
0x5b: {  	_ =	shalt  }
0x5c: {  	_ =	shalt  }
0x5d: {  	_ =	shalt  }
0x5e: {  	_ =	shalt  }
0x5f: {  	_ =	shalt  }
0x60: {  	_ =	shalt  }
0x61: {  	_ =	shalt  }
0x62: {  	_ =	shalt  }
0x63: {  	_ =	shalt  }
0x64: {  	_ =	shalt  }
0x65: {  	_ =	shalt  }
0x66: {  	_ =	shalt  }
0x67: {  	_ =	shalt  }
0x68: {  	_ =	shalt  }
0x69: {  	_ =	shalt  }
0x6a: {  	_ =	shalt  }
0x6b: {  	_ =	shalt  }
0x6c: {  	_ =	shalt  }
0x6d: {  	_ =	shalt  }
0x6e: {  	_ =	shalt  }
0x6f: {  	_ =	shalt  }
0x70: {  	_ =	shalt  }
0x71: {  	_ =	shalt  }
0x72: {  	_ =	shalt  }
0x73: {  	_ =	shalt  }
0x74: {  	_ =	shalt  }
0x75: {  	_ =	shalt  }
0x76: {  	_ =	shalt  }
0x77: {  	_ =	shalt  }
0x78: {  	_ =	shalt  }
0x79: {  	_ =	shalt  }
0x7a: {  	_ =	shalt  }
0x7b: {  	_ =	shalt  }
0x7c: {  	_ =	shalt  }
0x7d: {  	_ =	shalt  }
0x7e: {  	_ =	shalt  }
0x7f: {  	_ =	shalt  }
0x80: {  	_ =	shalt  }
0x81: {  	_ =	shalt  }
0x82: {  	_ =	shalt  }
0x83: {  	_ =	shalt  }
0x84: {  	_ =	shalt  }
0x85: {  	_ =	shalt  }
0x86: {  	_ =	shalt  }
0x87: {  	_ =	shalt  }
.Lfunc_end0:
.L_simem_size_0:
called_computation_lowered:
.L_overlay_start_0:
0x88: {  	s2 =	sld [smem:$0x3FD9]  }
0x89: {  	s3 =	sld [smem:$0x3FFE];
	_ =	sdelay $0x1  }
0x8a: {  	s1 =	srdreg.scid  }
0x8b: {  	s0 =	sand.u32 $0x1, s1  }
0x8c: {  	s14 =	sshll.u32 s0, $0xA;
	s2 =	sadd.s32 s3, s2  }
0x8d: {  	s2 =	sadd.s32 s2, s14  }
0x8e: {  	[smem:$0x3FC3] =	sst s2  }
0x8f: {  	_ = 	snop  }
0x90: {  	s2 =	sld [smem:$0x3FD0];
	_ =	sdelay $0x2  }
0x91: {  	s15 =	simm.s32 $0xA;
	s4 =	simm.s32 $0x10  }
0x92: {  	[smem:s4], [sflag:s15] =	dma.local [hbm:s2], $0x1  }
0x93: {  	_ =	swait.eq [sflag:s15], $0x1  }
0x94: {  	[sflag:s15] =	ssyncset.done $0x0  }
0x95: {  	[sflag:s15] =	ssyncadd.s32 $0xFFFFFFFF  }
0x96: {  	s16 =	sld [smem:$0x10];
	(tm) =	ssettm $0x1  }
0x97: {  	s17 =	sld [smem:$0x3FFB];
	_ =	sdelay $0x3  }
0x98: {  	_ =	strace s17  }
0x99: {  	s3 =	sld [smem:$0x3FFC];
	_ =	sdelay $0x3  }
0x9a: {  	_ =	strace s3  }
0x9b: {  	s3 =	sld [smem:$0x3FFD];
	_ =	sdelay $0x3  }
0x9c: {  	_ =	strace s3  }
0x9d: {  	_ =	strace $0x8FFFFFFF  }
0x9e: {  	s18 =	sld [smem:$0x3FDB];
	_ =	sdelay $0x1  }
0x9f: {  	s19 =	simm.s32 $_scs_section_size  }
0xa0: {  	s5 =	simm.s32 $_size__tile_overlayer_lowered;
	s6 =	simm.s32 $_tile_overlayer_lowered  }
0xa1: {  	s22 =	simm.s32 $0x1BFF;
	s21 =	sshll.u32 s6, $0x1;
	s3 =	sadd.s32 s19, s18  }
0xa2: {  	s7 =	simm.s32 $0x0;
	s20 =	sshll.u32 s5, $0x1;
	s5 =	sadd.s32 s21, s3  }
0xa3: {  	[timem:s7], [sflag:s22] =	dma.local [hbm:s5], s20  }
0xa4: {  	_ =	swait.ge [sflag:s22], s20  }
0xa5: {  	s4 =	ssub.s32 $0x0, s20;
	[sflag:s22] =	ssyncset.done $0x0  }
0xa6: {  	[sflag:s22] =	ssyncadd.s32 s4;
	_ =	sdelay $0x1  }
0xa7: {  	s23 =	simm.s32 $0x1B8B  }
0xa8: {  	_ =	swait.ge [sflag:s23], $0x1  }
0xa9: {  	[sflag:s23] =	ssyncset.done $0x0  }
0xaa: {  	s25 =	simm.s32 $0x1B8E;
	s24 =	sld [smem:$0x3FFE];
	[sflag:s23] =	ssyncadd.s32 $0xFFFFFFFF  }
0xab: {  	s26 =	simm.s32 $execute0_lowered;
	[smem:$0x3FD2] =	sst s25  }
0xac: {  	s5 =	sshll.u32 s26, $0x1;
	_ =	strace $0x80000046;
	[dreg:$0x1] =	wrdreg $0xFFFFFFFF  }
0xad: {  	s28 =	simm.s32 $_size_execute0_lowered;
	s3 =	sadd.s32 s3, s5;
	[dreg:$0x0] =	wrdreg $0x0  }
0xae: {  	s5 =	sshll.u32 s28, $0x1;
	[dreg:$0x2] =	wrdreg s3  }
0xaf: {  	[dreg:$0x3] =	wrdreg s5  }
0xb0: {  	[dreg:$0x4] =	wrdreg $0xC0  }
0xb1: {  	_ =	task [dreg:s7], $0x5FFFF  }
0xb2: {  	[dreg:$0x1] =	wrdreg $0xFFFFFFFF  }
0xb3: {  	[dreg:$0x0] =	wrdreg $0x60  }
0xb4: {  	[dreg:$0x2] =	wrdreg s16  }
0xb5: {  	[dreg:$0x3] =	wrdreg s24  }
0xb6: {  	[dreg:$0x4] =	wrdreg $0x9  }
0xb7: {  	_ =	task.clear_ibuf [dreg:s7], $0x5FFFF;
	_ =	strace $0x90000046  }
0xb8: {  	s29 =	simm.s32 $0x9;
	_ =	strace $0x80000048  }
0xb9: {  	_ =	swait.ge [sflag:s29], $0x1  }
0xba: {  	[sflag:s29] =	ssyncadd.s32 $0xFFFFFFFF  }
0xbb: {  	_ =	strace $0x90000048  }
0xbc: {  	_ =	sfence  }
0xbd: {  	s30 =	sld [smem:$0x0];
	_ =	sdelay $0x2  }
0xbe: {  	s31 =	sshll.u32 s1, $0xD;
	s1 =	sshrl.u32 s1, $0x2  }
0xbf: {  	s3 =	sand.u32 $0x4000, s31;
	s1 =	sadd.s32 s1, s30  }
0xc0: {  	s0 =	sor.u32 s3, s0;
	s1 =	sshll.u32 s1, $0x11  }
0xc1: {  	s0 =	sor.u32 s1, s0  }
0xc2: {  	s0 =	sadd.s32 $0x8F2B, s0  }
0xc3: {  	[sflag:s0] =	ssyncadd.remote.s32 $0x1  }
0xc4: {  	_ =	sfence.sel $0xFFFF  }
0xc5: {  	[dreg:$0x0] =	wrdreg $0xFFFFFFFF;
	(pc) =	sbr.abs _section_cstart, $3  }
0xc6: {  	[dreg:$0x1] =	wrdreg $0xFFFFFFFF  }
0xc7: {  	_ =	task.clear_ibuf [dreg:s7], $0x2FFFF;
	_ =	strace $0x9FFFFFFF  }
0xc8: {  	(tm) =	ssettm $0x7FFFFFFF  }
0xc9: {  	_ =	shalt  }
tec
execute0_lowered:
.L_overlay_start_1:
0x0: {  	(tag) =	ssettag $0x1  }
0x1: {  	s1 =	srdreg.scid;
	s7 =	rddreg [dreg:$0x0]  }
0x2: {  	s0 =	stileid.u32;
	s6 =	rddreg [dreg:$0x1];
	s2 =	simm.s32 $0x0  }
0x3: {  	s12 =	simm.s32 $0x32;
	s13 =	simm.s32 $0xA000;
	s14 =	simm.s32 $0x80  }
0x4: {  	s15 =	simm.s32 $0xBC00;
	s16 =	simm.s32 $0x1;
	s17 =	simm.s32 $0xD800  }
0x5: {  	s18 =	simm.s32 $0x2;
	s19 =	simm.s32 $0xF400;
	s20 =	simm.s32 $0x3  }
0x6: {  	s21 =	simm.s32 $0x4;
	s22 =	simm.s32 $0x0;
	s4 =	sand.u32 $0x1, s1  }
0x7: {  	s3 =	sshll.u32 s0, $0x8;
	[smem:$0x7FF] =	sst s2;
	s5 =	sshll.u32 s4, $0x7  }
0x8: {  	_ =	strace $0x80000047;
	s10 =	ssub.s32 $0x2, s4;
	s4 =	sadd.s32 $0x11400, s6  }
0x9: {  	s3 =	sor.u32 s5, s3;
	s5 =	sadd.s32 $0x7D1400, s6;
	s11 =	sshrl.u32 s10, $0x1  }
0xa: {  	s8 =	sshll.u32 s3, $0x4;
	s10 =	ssub.s32 s10, s11;
	s11 =	simm.s32 $0x8000  }
0xb: {  	s9 =	sadd.s32 s8, s6;
	s6 =	sadd.s32 $0x7D1800, s6;
	s7 =	sadd.s32 s7, s8  }
0xc: {  	s8 =	sadd.s32 $0x1400, s9;
	s9 =	smax.u32 s10, $0x1;
	s10 =	simm.s32 $0x5  }
.LBB2_1:
0xd: {  	[tilespmem:s2], [sflag:$0x5] =	stream.linear.gather [hbm4b:s7+s2], $0x4000, $0x38;
	[tilespmem:$0x11000] =	vst v63  }
0xe: {  	_ =	swait.ge [sflag:s10], $0x4000  }
0xf: {  	[sflag:s10] =	ssyncset.done $0x0  }
0x10: {  	s23 =	simm.s32 $0x4000;
	[sflag:s10] =	ssyncadd.s32 $0xFFFFC000  }
0x11: {  	[tilespmem:s23], [sflag:$0x5] =	stream.linear.gather [hbm4b:s8+s2], $0x4000, $0x38;
	[tilespmem:$0x11000] =	vst v63  }
0x12: {  	_ =	swait.ge [sflag:s10], $0x4000  }
0x13: {  	[sflag:s10] =	ssyncset.done $0x0  }
0x14: {  	[sflag:s10] =	ssyncadd.s32 $0xFFFFC000  }
0x15: {  	[tilespmem:s11], [sflag:$0x5] =	stream.linear.gather [hbm4b:s5+s2], $0x2000, $0x38;
	[tilespmem:$0x11000] =	vst v63  }
0x16: {  	_ =	swait.ge [sflag:s10], $0x2000  }
0x17: {  	[sflag:s10] =	ssyncset.done $0x0  }
0x18: {  	[sflag:s10] =	ssyncadd.s32 $0xFFFFE000  }
0x19: {  	[tilespmem:s13], [sflag:$0x1] =	stream.indirect.gather [hbm4b:s4+s12], $0x80, s2, s12, $0xb8;
	[tilespmem:$0x11000] =	vst v63  }
0x1a: {  	s24 =	simm.s32 $0x4080;
	s25 =	simm.s32 $0x0  }
0x1b: {  	[tilespmem:s15], [sflag:$0x2] =	stream.indirect.gather [hbm4b:s4+s12], $0x80, s14, s12, $0xb8;
	[tilespmem:$0x11000] =	vst v63  }
.LBB2_2:
0x1c: {  	_ =	swait.ge [sflag:s16], $0x1900  }
0x1d: {  	[sflag:s16] =	ssyncset.done $0x0  }
0x1e: {  	s28 =	simm.s32 $0x0;
	[sflag:s16] =	ssyncadd.s32 $0xFFFFE700  }
0x1f: {  	v0 =	vld [tilespmem:s28+$0xA000]  }
0x20: {  	v3 =	vld [tilespmem:s28+$0xA040]  }
0x21: {  	v1 =	vld [tilespmem:s28+$0xA010]  }
0x22: {  	v4 =	vld [tilespmem:s28+$0xA050]  }
0x23: {  	v2 =	vld [tilespmem:s28+$0xA020]  }
0x24: {  	s26 =	sshll.u32 s25, $0xA;
	s29 =	simm.s32 $0x200;
	s30 =	smov.u32 s23;
	v5 =	vld [tilespmem:s23+$0x0]  }
.LBB2_3:
0x25: {  	p0 =	sne.s32 s29, $0x6200;
	v6 =	vld [tilespmem:s28+$0xA060]  }
0x26: {  	v7 =	vld [tilespmem:s28+$0xA030]  }
0x27: {  	v8 =	vld [tilespmem:s28+$0xA070];
	_ =	sdelay $0x1  }
0x28: {  	v5 =	vcvt.s32.f32 v5  }
0x29: {  	v9 =	vld [tilespmem:s28+$0x8000]  }
0x2a: {  	v3 =	vsub.f32 v3, v0;
	v4 =	vsub.f32 v4, v1;
	v5 =	vbroadcast v5, $0x0;
	v10 =	vld [tilespmem:s28+$0x8010]  }
0x2b: {  	v6 =	vsub.f32 v6, v2;
	v11 =	vld [tilespmem:s28+$0x8020];
	v8 =	vsub.f32 v8, v7  }
0x2c: {  	v3 =	vmul.f32 v3, v5;
	v4 =	vmul.f32 v4, v5;
	v12 =	vld [tilespmem:s28+$0x8030]  }
0x2d: {  	v6 =	vmul.f32 v6, v5;
	v5 =	vmul.f32 v8, v5  }
0x2e: {  	v0 =	vadd.f32 v3, v0;
	v1 =	vadd.f32 v4, v1  }
0x2f: {  	v2 =	vadd.f32 v6, v2;
	v3 =	vadd.f32 v5, v7  }
0x30: {  	s31 =	sshra.s32 s29, $0x2;
	v4 =	vadd.f32 v0, v9;
	v5 =	vadd.f32 v1, v10  }
0x31: {  	v2 =	vadd.f32 v2, v11;
	v0 =	vld [tilespmem:s31+$0xA000];
	v6 =	vadd.f32 v3, v12  }
.Ltmp0:
0x32: {  	v3 =	vld [tilespmem:s31+$0xA040];
	[tilespmem:s28+$0xD800] =	vst v4;
	(pc) =	sbr.rel @p0 .LBB2_3-.Ltmp0, $4  }
0x33: {  	v1 =	vld [tilespmem:s31+$0xA010];
	[tilespmem:s28+$0xD810] =	vst v5  }
0x34: {  	v4 =	vld [tilespmem:s31+$0xA050];
	[tilespmem:s28+$0xD820] =	vst v2  }
0x35: {  	s30 =	sadd.s32 $0x1, s30;
	v2 =	vld [tilespmem:s31+$0xA020];
	[tilespmem:s28+$0xD830] =	vst v6;
	s28 =	smov.u32 s31  }
0x36: {  	s29 =	sadd.s32 $0x200, s29;
	v5 =	vld [tilespmem:s30+$0x0]  }
0x37: {  	_ =	sdelay $0x1  }
0x38: {  	v6 =	vld [tilespmem:s28+$0xA060]  }
0x39: {  	v7 =	vld [tilespmem:s28+$0xA030]  }
0x3a: {  	v8 =	vld [tilespmem:s28+$0xA070];
	v5 =	vcvt.s32.f32 v5;
	_ =	sdelay $0x1  }
0x3b: {  	v3 =	vsub.f32 v3, v0;
	v5 =	vbroadcast v5, $0x0  }
0x3c: {  	v9 =	vld [tilespmem:s28+$0x8000];
	v4 =	vsub.f32 v4, v1  }
0x3d: {  	v10 =	vld [tilespmem:s28+$0x8010];
	v6 =	vsub.f32 v6, v2;
	v3 =	vmul.f32 v3, v5  }
0x3e: {  	v11 =	vld [tilespmem:s28+$0x8020];
	v8 =	vsub.f32 v8, v7;
	v4 =	vmul.f32 v4, v5  }
0x3f: {  	v12 =	vld [tilespmem:s28+$0x8030];
	v6 =	vmul.f32 v6, v5;
	v0 =	vadd.f32 v3, v0  }
0x40: {  	v3 =	vmul.f32 v8, v5;
	v1 =	vadd.f32 v4, v1  }
0x41: {  	v2 =	vadd.f32 v6, v2;
	v0 =	vadd.f32 v0, v9  }
0x42: {  	v3 =	vadd.f32 v3, v7;
	v1 =	vadd.f32 v1, v10  }
0x43: {  	v2 =	vadd.f32 v2, v11;
	[tilespmem:s28+$0xD800] =	vst v0  }
0x44: {  	p0 =	seq.s32 s25, $0x3F;
	v0 =	vadd.f32 v3, v12;
	[tilespmem:s28+$0xD810] =	vst v1  }
0x45: {  	s26 =	sshrl.u32 @!p0 s26, $0x2;
	[tilespmem:s28+$0xD820] =	vst v2  }
0x46: {  	s29 =	simm.s32 @!p0 $0x32;
	s30 =	simm.s32 @!p0 $0xA000;
	[tilespmem:s28+$0xD830] =	vst v0;
	s28 =	sadd.s32 @!p0 $0x100, s26  }
0x47: {  	[tilespmem:s30], [sflag:$0x1] =	stream.indirect.gather @!p0 [hbm4b:s4+s29], $0x80, s28, s29, $0xb8;
	[tilespmem:$0x11000] =	vst v63  }
0x48: {  	p1 =	seq.s32 @!p0 s25, $0x0;
	s28 =	sshll.u32 s25, $0x1  }
0x49: {  	p1 =	por p0, !p1;
	s29 =	sadd.s32 s3, s28  }
0x4a: {  	_ =	swait.ge @p1 [sflag:s20], $0x1900;
	s29 =	smul.u32 $0x380, s29  }
0x4b: {  	[sflag:s20] =	ssyncset.done @p1 $0x0  }
0x4c: {  	s30 =	simm.s32 $0x0;
	[sflag:s20] =	ssyncadd.s32 @p1 $0xFFFFE700;
	s29 =	sadd.s32 s6, s29  }
0x4d: {  	[hbm4b:s29+s30] =	stream.linear.scatter [tilespmem:s17], [sflag:$0x3], $0x1900, $0x38;
	[tilespmem:$0x11000] =	vst v63  }
0x4e: {  	_ =	swait.ge [sflag:s18], $0x1900  }
0x4f: {  	[sflag:s18] =	ssyncset.done $0x0  }
0x50: {  	s29 =	simm.s32 $0x0;
	[sflag:s18] =	ssyncadd.s32 $0xFFFFE700  }
0x51: {  	v0 =	vld [tilespmem:s29+$0xBC00]  }
0x52: {  	v3 =	vld [tilespmem:s29+$0xBC40]  }
0x53: {  	v1 =	vld [tilespmem:s29+$0xBC10]  }
0x54: {  	v4 =	vld [tilespmem:s29+$0xBC50]  }
0x55: {  	v2 =	vld [tilespmem:s29+$0xBC20]  }
0x56: {  	s31 =	smov.u32 s24;
	s28 =	sor.u32 $0x1, s28;
	s30 =	simm.s32 $0x200;
	v5 =	vld [tilespmem:s24+$0x0]  }
.LBB2_5:
0x57: {  	p2 =	sne.s32 s30, $0x6200;
	v6 =	vld [tilespmem:s29+$0xBC60]  }
0x58: {  	v7 =	vld [tilespmem:s29+$0xBC30]  }
0x59: {  	v8 =	vld [tilespmem:s29+$0xBC70];
	_ =	sdelay $0x1  }
0x5a: {  	v5 =	vcvt.s32.f32 v5  }
0x5b: {  	v9 =	vld [tilespmem:s29+$0x8000]  }
0x5c: {  	v3 =	vsub.f32 v3, v0;
	v4 =	vsub.f32 v4, v1;
	v5 =	vbroadcast v5, $0x0;
	v10 =	vld [tilespmem:s29+$0x8010]  }
0x5d: {  	v6 =	vsub.f32 v6, v2;
	v11 =	vld [tilespmem:s29+$0x8020];
	v8 =	vsub.f32 v8, v7  }
0x5e: {  	v3 =	vmul.f32 v3, v5;
	v4 =	vmul.f32 v4, v5;
	v12 =	vld [tilespmem:s29+$0x8030]  }
0x5f: {  	v6 =	vmul.f32 v6, v5;
	v5 =	vmul.f32 v8, v5  }
0x60: {  	v0 =	vadd.f32 v3, v0;
	v1 =	vadd.f32 v4, v1  }
0x61: {  	v2 =	vadd.f32 v6, v2;
	v3 =	vadd.f32 v5, v7  }
0x62: {  	s1 =	sshra.s32 s30, $0x2;
	v4 =	vadd.f32 v0, v9;
	v5 =	vadd.f32 v1, v10  }
0x63: {  	v2 =	vadd.f32 v2, v11;
	v0 =	vld [tilespmem:s1+$0xBC00];
	v6 =	vadd.f32 v3, v12  }
.Ltmp1:
0x64: {  	v3 =	vld [tilespmem:s1+$0xBC40];
	[tilespmem:s29+$0xF400] =	vst v4;
	(pc) =	sbr.rel @p2 .LBB2_5-.Ltmp1, $4  }
0x65: {  	v1 =	vld [tilespmem:s1+$0xBC10];
	[tilespmem:s29+$0xF410] =	vst v5  }
0x66: {  	v4 =	vld [tilespmem:s1+$0xBC50];
	[tilespmem:s29+$0xF420] =	vst v2  }
0x67: {  	s31 =	sadd.s32 $0x1, s31;
	v2 =	vld [tilespmem:s1+$0xBC20];
	[tilespmem:s29+$0xF430] =	vst v6;
	s29 =	smov.u32 s1  }
0x68: {  	s30 =	sadd.s32 $0x200, s30;
	v5 =	vld [tilespmem:s31+$0x0]  }
0x69: {  	_ =	sdelay $0x1  }
0x6a: {  	v6 =	vld [tilespmem:s29+$0xBC60]  }
0x6b: {  	v7 =	vld [tilespmem:s29+$0xBC30]  }
0x6c: {  	v8 =	vld [tilespmem:s29+$0xBC70];
	v5 =	vcvt.s32.f32 v5;
	_ =	sdelay $0x1  }
0x6d: {  	v3 =	vsub.f32 v3, v0;
	v5 =	vbroadcast v5, $0x0  }
0x6e: {  	v9 =	vld [tilespmem:s29+$0x8000];
	v4 =	vsub.f32 v4, v1  }
0x6f: {  	v10 =	vld [tilespmem:s29+$0x8010];
	v6 =	vsub.f32 v6, v2;
	v3 =	vmul.f32 v3, v5  }
0x70: {  	v11 =	vld [tilespmem:s29+$0x8020];
	v8 =	vsub.f32 v8, v7;
	v4 =	vmul.f32 v4, v5  }
0x71: {  	v12 =	vld [tilespmem:s29+$0x8030];
	v6 =	vmul.f32 v6, v5;
	v59 =	vadd.f32 v3, v0  }
0x72: {  	v60 =	vmul.f32 v8, v5;
	v61 =	vadd.f32 v4, v1  }
0x73: {  	v62 =	vadd.f32 v6, v2;
	v0 =	vadd.f32 v59, v9  }
0x74: {  	v3 =	vadd.f32 v60, v7;
	v1 =	vadd.f32 v61, v10  }
0x75: {  	v2 =	vadd.f32 v62, v11;
	[tilespmem:s29+$0xF400] =	vst v0  }
0x76: {  	v63 =	vadd.f32 v3, v12;
	[tilespmem:s29+$0xF410] =	vst v1  }
0x77: {  	s1 =	sadd.s32 @!p0 $0x180, s26;
	[tilespmem:s29+$0xF420] =	vst v2  }
0x78: {  	s26 =	simm.s32 @!p0 $0x32;
	s25 =	sadd.s32 $0x1, s25;
	[tilespmem:s29+$0xF430] =	vst v63;
	s29 =	simm.s32 @!p0 $0xBC00  }
0x79: {  	[tilespmem:s29], [sflag:$0x2] =	stream.indirect.gather @!p0 [hbm4b:s4+s26], $0x80, s1, s26, $0xb8;
	[tilespmem:$0x11000] =	vst v63  }
0x7a: {  	p0 =	sne.s32 s25, $0x40  }
.Ltmp2:
0x7b: {  	s31 =	sadd.s32 s3, s28;
	(pc) =	sbr.rel @p0 .LBB2_2-.Ltmp2, $4  }
0x7c: {  	s1 =	smul.u32 $0x380, s31;
	_ =	swait.ge @p1 [sflag:s21], $0x1900  }
0x7d: {  	s23 =	sadd.s32 $0x100, s23;
	[sflag:s21] =	ssyncset.done @p1 $0x0  }
0x7e: {  	s24 =	sadd.s32 $0x100, s24;
	s1 =	sadd.s32 s6, s1;
	[sflag:s21] =	ssyncadd.s32 @p1 $0xFFFFE700  }
0x7f: {  	[hbm4b:s1+s2] =	stream.linear.scatter [tilespmem:s19], [sflag:$0x4], $0x1900, $0x38;
	[tilespmem:$0x11000] =	vst v63  }
0x80: {  	s22 =	sadd.s32 $0x1, s22  }
0x81: {  	_ =	swait.ge [sflag:s20], $0x1900;
	p0 =	sne.s32 s22, s9  }
.Ltmp3:
0x82: {  	[sflag:s20] =	ssyncset.done $0x0;
	(pc) =	sbr.rel @p0 .LBB2_1-.Ltmp3, $4  }
0x83: {  	[sflag:s20] =	ssyncadd.s32 $0xFFFFE700  }
0x84: {  	_ =	swait.ge [sflag:s21], $0x1900  }
0x85: {  	[sflag:s21] =	ssyncset.done $0x0  }
0x86: {  	[sflag:s21] =	ssyncadd.s32 $0xFFFFE700  }
0x87: {  	_ =	sfence.sel $0x180000  }
0x88: {  	[bflag:$0x0] =	sbarrier.arrive $0xFFFF  }
0x89: {  	_ =	strace $0x90000047  }
0x8a: {  	[bflag:$0x2] =	sbarrier.arrive $0xFFFF  }
0x8b: {  	p0 =	sne.s32 s0, $0x0;
	s0 =	rddreg [dreg:$0x2]  }
0x8c: {  	s0 =	sadd.s32 @!p0 $0x100000, s0  }
0x8d: {  	[sflag:s0] =	ssyncadd.tile.s32 @!p0 $0x1;
	_ =	shalt  }
.Lfunc_end2:
_tile_overlayer_lowered:
.L_overlay_start_2:
0x8e: {  	(tag) =	ssettag $0x2  }
0x8f: {  	s0 =	rddreg [dreg:$0x0];
	s2 =	stileid.u32  }
0x90: {  	s1 =	rddreg [dreg:$0x1];
	p0 =	sne.s32 s2, $0x0  }
0x91: {  	s3 =	rddreg [dreg:$0x2];
	[bflag:$0x3] =	sbarrier.arrive $0xFFFF;
	s2 =	simm.s32 @!p0 $0x1C05  }
0x92: {  	[timem:s3], [sflag:s2] =	dma.local @!p0 [hbm:s0], s1  }
0x93: {  	s0 =	simm.s32 @!p0 $0x5  }
0x94: {  	_ =	swait.ge @!p0 [sflag:s0], s1  }
0x95: {  	s1 =	ssub.s32 @!p0 $0x0, s1;
	[sflag:s0] =	ssyncset.done @!p0 $0x0  }
0x96: {  	[sflag:s0] =	ssyncadd.s32 @!p0 s1  }
0x97: {  	[bflag:$0x3] =	sbarrier.arrive $0xFFFF  }
0x98: {  	_ =	shalt  }

</sc_bundles>
